<compile_context>
chip_gen: v7x
topology: tpu7x:2x2x1
jax: 0.10.2.dev20260603
libtpu: 0.0.44.dev20260713+nightly
codegen_flags: <defaults>
</compile_context>

<pallas_src>
import functools

import jax
import jax.numpy as jnp
from jax import lax
from jax.experimental import pallas as pl
from jax.experimental.pallas import tpu as pltpu
from jax.experimental.pallas import tpu_sc as plsc

B, H, W, C = 8, 224, 224, 96
S = H * W
NW = 32
SP = B * S // NW
R = 112
NCH = SP // R
CG = C // 16


def _seg_body(x_hbm, y_hbm, flat_hbm, out_hbm,
              flat_v, red_f, red_i, xc0, xc1, yc0, yc1, out_v,
              sx0, sx1, sy0, sy1):
    wid = lax.axis_index("s") * 2 + lax.axis_index("c")
    r0 = wid * SP
    b = r0 // S
    iv = lax.iota(jnp.int32, 16)

    pltpu.sync_copy(flat_hbm.at[b], flat_v)
    vals = [flat_v[pl.ds(g * 16, 16)] for g in range(CG)]
    mv = vals[0]
    for g in range(1, CG):
        mv = jnp.maximum(mv, vals[g])
    for sh in (8, 4, 2, 1):
        red_f[...] = mv
        mv = jnp.maximum(mv, plsc.load_gather(red_f, [iv ^ sh]))
    acc = iv * 0 + jnp.int32(C)
    for g in range(CG):
        cand = jnp.where(vals[g] == mv, iv + g * 16, jnp.int32(C))
        acc = jnp.minimum(acc, cand)
    for sh in (8, 4, 2, 1):
        red_i[...] = acc
        acc = jnp.minimum(acc, plsc.load_gather(red_i, [iv ^ sh]))
    lidx = acc

    xc = (xc0, xc1)
    yc = (yc0, yc1)
    sx = (sx0, sx1)
    sy = (sy0, sy1)

    def start(j, p):
        pltpu.async_copy(x_hbm.at[pl.ds(r0 + j * R, R), :], xc[p], sx[p])
        pltpu.async_copy(y_hbm.at[pl.ds(r0 + j * R, R), :], yc[p], sy[p])

    def finish(j, p):
        pltpu.make_async_copy(x_hbm.at[pl.ds(r0, R), :], xc[p], sx[p]).wait()
        pltpu.make_async_copy(y_hbm.at[pl.ds(r0, R), :], yc[p], sy[p]).wait()
        for g in range(R // 16):
            rid = iv + g * 16
            xv = plsc.load_gather(xc[p], [rid, lidx])
            yv = plsc.load_gather(yc[p], [rid, lidx])
            out_v[pl.ds(j * R + g * 16, 16)] = xv + yv

    start(0, 0)
    start(1, 1)

    def step(jj, carry):
        j = jj * 2
        finish(j, 0)
        start(j + 2, 0)
        finish(j + 1, 1)
        start(j + 3, 1)
        return carry
    lax.fori_loop(0, NCH // 2 - 1, step, 0)

    finish(NCH - 2, 0)
    finish(NCH - 1, 1)

    pltpu.sync_copy(out_v, out_hbm.at[pl.ds(r0, SP)])


_seg_gather = functools.partial(
    pl.kernel,
    mesh=plsc.VectorSubcoreMesh(core_axis_name="c", subcore_axis_name="s"),
    out_type=jax.ShapeDtypeStruct((B * S,), jnp.float32),
    compiler_params=pltpu.CompilerParams(
        needs_layout_passes=False, use_tc_tiling_on_sc=True),
    scratch_types=[
        pltpu.VMEM((C,), jnp.float32),
        pltpu.VMEM((16,), jnp.float32),
        pltpu.VMEM((16,), jnp.int32),
        pltpu.VMEM((R, C), jnp.float32),
        pltpu.VMEM((R, C), jnp.float32),
        pltpu.VMEM((R, C), jnp.float32),
        pltpu.VMEM((R, C), jnp.float32),
        pltpu.VMEM((SP,), jnp.float32),
        pltpu.SemaphoreType.DMA,
        pltpu.SemaphoreType.DMA,
        pltpu.SemaphoreType.DMA,
        pltpu.SemaphoreType.DMA,
    ],
)(_seg_body)


def kernel(x, y, flat):
    x2 = x.reshape(B * S, C)
    y2 = y.reshape(B * S, C)
    out = _seg_gather(x2, y2, flat)
    return out.reshape(B, H, W)

# --- scband reference (transcript-rebuilt; emitter-appended) ---
"""Pipeline reference for scband-segmentation-67181878444832 (READ-ONLY COPY).

The authoritative reference and input builder live on the scoring server;
editing this copy changes nothing except your own understanding.
"""

import jax, jax.numpy as jnp
import numpy as np

B, H, W, C = 8, 224, 224, 96

def setup_inputs(seed: int = 0) -> dict:
    key = jax.random.key(seed)
    k1, k2, k3 = jax.random.split(key, 3)
    x = jax.random.normal(k1, (B, H, W, C), dtype=jnp.float32)
    y = jax.random.normal(k2, (B, H, W, C), dtype=jnp.float32)
    flat = jax.random.normal(k3, (B, C), dtype=jnp.float32)
    return {"x": x, "y": y, "flat": flat}

def reference(x, y, flat):
    # idx = argmax over channel scores per batch element
    idx = jnp.argmax(flat, axis=1)  # [B] int
    # gather the selected channel slice per batch element: x[bt, :, :, idx[bt]]
    res_x = jnp.take_along_axis(x, idx[:, None, None, None], axis=3)[..., 0]  # [B, H, W]
    res_y = jnp.take_along_axis(y, idx[:, None, None, None], axis=3)[..., 0]  # [B, H, W]
    return res_x + res_y

if __name__ == "__main__":
    import jax
    _d = setup_inputs()
    print(jax.jit(kernel)(*tuple(_d.values())))

</pallas_src>

<mosaic_0001>
#map = affine_map<(d0, d1) -> (0, 0)>
#map1 = affine_map<(d0, d1) -> (0)>
module attributes {stable_mosaic.version = 14 : i64} {
  func.func @_seg_body(%arg0: i32, %arg1: i32, %arg2: memref<401408x96xf32, #tpu.memory_space<hbm>>, %arg3: memref<401408x96xf32, #tpu.memory_space<hbm>>, %arg4: memref<8x96xf32, #tpu.memory_space<hbm>>, %arg5: memref<401408xf32, #tpu.memory_space<hbm>>, %arg6: memref<96xf32, #tpu.memory_space<vmem>>, %arg7: memref<16xf32, #tpu.memory_space<vmem>>, %arg8: memref<16xi32, #tpu.memory_space<vmem>>, %arg9: memref<112x96xf32, #tpu.memory_space<vmem>>, %arg10: memref<112x96xf32, #tpu.memory_space<vmem>>, %arg11: memref<112x96xf32, #tpu.memory_space<vmem>>, %arg12: memref<112x96xf32, #tpu.memory_space<vmem>>, %arg13: memref<12544xf32, #tpu.memory_space<vmem>>, %arg14: memref<!tpu.dma_semaphore, #tpu.memory_space<semaphore_mem>>, %arg15: memref<!tpu.dma_semaphore, #tpu.memory_space<semaphore_mem>>, %arg16: memref<!tpu.dma_semaphore, #tpu.memory_space<semaphore_mem>>, %arg17: memref<!tpu.dma_semaphore, #tpu.memory_space<semaphore_mem>>) attributes {dimension_semantics = [#tpu.dimension_semantics<core_parallel>, #tpu.dimension_semantics<subcore_parallel>], iteration_bounds = array<i64: 2, 16>, scalar_prefetch = 0 : i64, scratch_operands = 12 : i64, tpu.core_type = #tpu.core_type<sc_vector_subcore>, window_params = [{transform_indices = #map}, {transform_indices = #map}, {transform_indices = #map}, {transform_indices = #map1}]} {
    %mul3A = arith.constant 2 : i32
    %mul3A_0 = arith.muli %arg1, %mul3A : i32
    %add3A = arith.addi %mul3A_0, %arg0 : i32
    %mul3A_1 = arith.constant 12544 : i32
    %mul3A_2 = arith.muli %add3A, %mul3A_1 : i32
    %jit3A = arith.constant 50176 : i32
    %div3A = arith.divsi %mul3A_2, %jit3A : i32
    %sign3A = arith.constant 0 : i32
    %sign3A_3 = arith.cmpi sgt, %mul3A_2, %sign3A : i32
    %sign3A_4 = arith.extui %sign3A_3 : i1 to i32
    %sign3A_5 = arith.constant 0 : i32
    %sign3A_6 = arith.cmpi slt, %mul3A_2, %sign3A_5 : i32
    %sign3A_7 = arith.extui %sign3A_6 : i1 to i32
    %sign3A_8 = arith.subi %sign3A_4, %sign3A_7 : i32
    %sign3A_9 = arith.constant 0 : i32
    %sign3A_10 = arith.cmpi sgt, %jit3A, %sign3A_9 : i32
    %sign3A_11 = arith.extui %sign3A_10 : i1 to i32
    %sign3A_12 = arith.constant 0 : i32
    %sign3A_13 = arith.cmpi slt, %jit3A, %sign3A_12 : i32
    %sign3A_14 = arith.extui %sign3A_13 : i1 to i32
    %sign3A_15 = arith.subi %sign3A_11, %sign3A_14 : i32
    %ne3A = arith.cmpi ne, %sign3A_8, %sign3A_15 : i32
    %rem3A = arith.remsi %mul3A_2, %jit3A : i32
    %ne3A_16 = arith.constant 0 : i32
    %ne3A_17 = arith.cmpi ne, %rem3A, %ne3A_16 : i32
    %and3A = arith.andi %ne3A, %ne3A_17 : i1
    %sub3A = arith.constant 1 : i32
    %sub3A_18 = arith.subi %div3A, %sub3A : i32
    %select_n3A = arith.select %and3A, %sub3A_18, %div3A : i32
    %iota3A = tpu.iota {dimensions = array<i32: 0>} : vector<16xi32>
    "tpu.region"() ({
      %run_scoped3A = tpu.sem_alloc : memref<!tpu.dma_semaphore, #tpu.memory_space<semaphore_mem>>
      %dma_start3A_293 = arith.constant 0 : i32
      %dma_start3A_294 = tpu.memref_slice %arg4[%select_n3A, %dma_start3A_293] : memref<8x96xf32, #tpu.memory_space<hbm>> -> memref<1x96xf32, #tpu.memory_space<hbm>>
      %dma_start3A_295 = tpu.memref_squeeze %dma_start3A_294 : memref<1x96xf32, #tpu.memory_space<hbm>> -> memref<96xf32, #tpu.memory_space<hbm>>
      %dma_start3A_296 = arith.constant 0 : i32
      %dma_start3A_297 = tpu.memref_slice %arg4[%select_n3A, %dma_start3A_296] : memref<8x96xf32, #tpu.memory_space<hbm>> -> memref<1x96xf32, #tpu.memory_space<hbm>>
      %dma_start3A_298 = tpu.memref_squeeze %dma_start3A_297 : memref<1x96xf32, #tpu.memory_space<hbm>> -> memref<96xf32, #tpu.memory_space<hbm>>
      tpu.enqueue_dma source(%dma_start3A_298 : memref<96xf32, #tpu.memory_space<hbm>>) target(%arg6 : memref<96xf32, #tpu.memory_space<vmem>>) target_semaphore(%run_scoped3A : memref<!tpu.dma_semaphore, #tpu.memory_space<semaphore_mem>>)
      %dma_wait3A_299 = arith.constant 0 : i32
      %dma_wait3A_300 = tpu.memref_slice %arg4[%select_n3A, %dma_wait3A_299] : memref<8x96xf32, #tpu.memory_space<hbm>> -> memref<1x96xf32, #tpu.memory_space<hbm>>
      %dma_wait3A_301 = tpu.memref_squeeze %dma_wait3A_300 : memref<1x96xf32, #tpu.memory_space<hbm>> -> memref<96xf32, #tpu.memory_space<hbm>>
      %dma_wait3A_302 = arith.constant 0 : i32
      %dma_wait3A_303 = tpu.memref_slice %arg4[%select_n3A, %dma_wait3A_302] : memref<8x96xf32, #tpu.memory_space<hbm>> -> memref<1x96xf32, #tpu.memory_space<hbm>>
      %dma_wait3A_304 = tpu.memref_squeeze %dma_wait3A_303 : memref<1x96xf32, #tpu.memory_space<hbm>> -> memref<96xf32, #tpu.memory_space<hbm>>
      tpu.wait_dma2 semaphore(%run_scoped3A : memref<!tpu.dma_semaphore, #tpu.memory_space<semaphore_mem>>) src(%dma_wait3A_304 : memref<96xf32, #tpu.memory_space<hbm>>) dst(%arg6 : memref<96xf32, #tpu.memory_space<vmem>>)
      tpu.yield
    }) : () -> ()
    %get3A = arith.constant 0 : index
    %get3A_19 = tpu.vector_load %arg6[%get3A] {strides = array<i32>} : memref<96xf32, #tpu.memory_space<vmem>>, vector<16xf32>,
    %get3A_20 = arith.constant 16 : index
    %get3A_21 = tpu.vector_load %arg6[%get3A_20] {strides = array<i32>} : memref<96xf32, #tpu.memory_space<vmem>>, vector<16xf32>,
    %get3A_22 = arith.constant 32 : index
    %get3A_23 = tpu.vector_load %arg6[%get3A_22] {strides = array<i32>} : memref<96xf32, #tpu.memory_space<vmem>>, vector<16xf32>,
    %get3A_24 = arith.constant 48 : index
    %get3A_25 = tpu.vector_load %arg6[%get3A_24] {strides = array<i32>} : memref<96xf32, #tpu.memory_space<vmem>>, vector<16xf32>,
    %get3A_26 = arith.constant 64 : index
    %get3A_27 = tpu.vector_load %arg6[%get3A_26] {strides = array<i32>} : memref<96xf32, #tpu.memory_space<vmem>>, vector<16xf32>,
    %get3A_28 = arith.constant 80 : index
    %get3A_29 = tpu.vector_load %arg6[%get3A_28] {strides = array<i32>} : memref<96xf32, #tpu.memory_space<vmem>>, vector<16xf32>,
    %max3A = arith.maximumf %get3A_19, %get3A_21 : vector<16xf32>
    %max3A_30 = arith.maximumf %max3A, %get3A_23 : vector<16xf32>
    %max3A_31 = arith.maximumf %max3A_30, %get3A_25 : vector<16xf32>
    %max3A_32 = arith.maximumf %max3A_31, %get3A_27 : vector<16xf32>
    %max3A_33 = arith.maximumf %max3A_32, %get3A_29 : vector<16xf32>
    %swap3A = arith.constant 0 : index
    %swap3A_34 = tpu.vector_load %arg7[%swap3A] {strides = array<i32>} : memref<16xf32, #tpu.memory_space<vmem>>, vector<16xf32>,
    tpu.vector_store %arg7[%swap3A], %max3A_33 {strides = array<i32>} : memref<16xf32, #tpu.memory_space<vmem>>, vector<16xf32>,
    %xor3A = arith.constant 8 : i32
    %xor3A_35 = vector.broadcast %xor3A : i32 to vector<16xi32>
    %xor3A_36 = arith.xori %iota3A, %xor3A_35 : vector<16xi32>
    %gather3A = tpu.vector_load_idx %arg7[%xor3A_36] : memref<16xf32, #tpu.memory_space<vmem>>[vector<16xi32>], vector<16xf32>,
    %max3A_37 = arith.maximumf %max3A_33, %gather3A : vector<16xf32>
    %swap3A_38 = arith.constant 0 : index
    %swap3A_39 = tpu.vector_load %arg7[%swap3A_38] {strides = array<i32>} : memref<16xf32, #tpu.memory_space<vmem>>, vector<16xf32>,
    tpu.vector_store %arg7[%swap3A_38], %max3A_37 {strides = array<i32>} : memref<16xf32, #tpu.memory_space<vmem>>, vector<16xf32>,
    %xor3A_40 = arith.constant 4 : i32
    %xor3A_41 = vector.broadcast %xor3A_40 : i32 to vector<16xi32>
    %xor3A_42 = arith.xori %iota3A, %xor3A_41 : vector<16xi32>
    %gather3A_43 = tpu.vector_load_idx %arg7[%xor3A_42] : memref<16xf32, #tpu.memory_space<vmem>>[vector<16xi32>], vector<16xf32>,
    %max3A_44 = arith.maximumf %max3A_37, %gather3A_43 : vector<16xf32>
    %swap3A_45 = arith.constant 0 : index
    %swap3A_46 = tpu.vector_load %arg7[%swap3A_45] {strides = array<i32>} : memref<16xf32, #tpu.memory_space<vmem>>, vector<16xf32>,
    tpu.vector_store %arg7[%swap3A_45], %max3A_44 {strides = array<i32>} : memref<16xf32, #tpu.memory_space<vmem>>, vector<16xf32>,
    %xor3A_47 = arith.constant 2 : i32
    %xor3A_48 = vector.broadcast %xor3A_47 : i32 to vector<16xi32>
    %xor3A_49 = arith.xori %iota3A, %xor3A_48 : vector<16xi32>
    %gather3A_50 = tpu.vector_load_idx %arg7[%xor3A_49] : memref<16xf32, #tpu.memory_space<vmem>>[vector<16xi32>], vector<16xf32>,
    %max3A_51 = arith.maximumf %max3A_44, %gather3A_50 : vector<16xf32>
    %swap3A_52 = arith.constant 0 : index
    %swap3A_53 = tpu.vector_load %arg7[%swap3A_52] {strides = array<i32>} : memref<16xf32, #tpu.memory_space<vmem>>, vector<16xf32>,
    tpu.vector_store %arg7[%swap3A_52], %max3A_51 {strides = array<i32>} : memref<16xf32, #tpu.memory_space<vmem>>, vector<16xf32>,
    %xor3A_54 = arith.constant 1 : i32
    %xor3A_55 = vector.broadcast %xor3A_54 : i32 to vector<16xi32>
    %xor3A_56 = arith.xori %iota3A, %xor3A_55 : vector<16xi32>
    %gather3A_57 = tpu.vector_load_idx %arg7[%xor3A_56] : memref<16xf32, #tpu.memory_space<vmem>>[vector<16xi32>], vector<16xf32>,
    %max3A_58 = arith.maximumf %max3A_51, %gather3A_57 : vector<16xf32>
    %mul3A_59 = arith.constant 0 : i32
    %mul3A_60 = vector.broadcast %mul3A_59 : i32 to vector<16xi32>
    %mul3A_61 = arith.muli %iota3A, %mul3A_60 : vector<16xi32>
    %add3A_62 = arith.constant 96 : i32
    %add3A_63 = vector.broadcast %add3A_62 : i32 to vector<16xi32>
    %add3A_64 = arith.addi %mul3A_61, %add3A_63 : vector<16xi32>
    %eq3A = arith.cmpf oeq, %get3A_19, %max3A_58 : vector<16xf32>
    %add3A_65 = arith.constant 0 : i32
    %add3A_66 = vector.broadcast %add3A_65 : i32 to vector<16xi32>
    %add3A_67 = arith.addi %iota3A, %add3A_66 : vector<16xi32>
    %jit3A_68 = arith.constant 96 : i32
    %broadcast_in_dim3A = vector.broadcast %jit3A_68 : i32 to vector<16xi32>
    %select_n3A_69 = arith.select %eq3A, %add3A_67, %broadcast_in_dim3A : vector<16xi1>, vector<16xi32>
    %min3A = arith.minsi %add3A_64, %select_n3A_69 : vector<16xi32>
    %eq3A_70 = arith.cmpf oeq, %get3A_21, %max3A_58 : vector<16xf32>
    %add3A_71 = arith.constant 16 : i32
    %add3A_72 = vector.broadcast %add3A_71 : i32 to vector<16xi32>
    %add3A_73 = arith.addi %iota3A, %add3A_72 : vector<16xi32>
    %jit3A_74 = arith.constant 96 : i32
    %broadcast_in_dim3A_75 = vector.broadcast %jit3A_74 : i32 to vector<16xi32>
    %select_n3A_76 = arith.select %eq3A_70, %add3A_73, %broadcast_in_dim3A_75 : vector<16xi1>, vector<16xi32>
    %min3A_77 = arith.minsi %min3A, %select_n3A_76 : vector<16xi32>
    %eq3A_78 = arith.cmpf oeq, %get3A_23, %max3A_58 : vector<16xf32>
    %add3A_79 = arith.constant 32 : i32
    %add3A_80 = vector.broadcast %add3A_79 : i32 to vector<16xi32>
    %add3A_81 = arith.addi %iota3A, %add3A_80 : vector<16xi32>
    %jit3A_82 = arith.constant 96 : i32
    %broadcast_in_dim3A_83 = vector.broadcast %jit3A_82 : i32 to vector<16xi32>
    %select_n3A_84 = arith.select %eq3A_78, %add3A_81, %broadcast_in_dim3A_83 : vector<16xi1>, vector<16xi32>
    %min3A_85 = arith.minsi %min3A_77, %select_n3A_84 : vector<16xi32>
    %eq3A_86 = arith.cmpf oeq, %get3A_25, %max3A_58 : vector<16xf32>
    %add3A_87 = arith.constant 48 : i32
    %add3A_88 = vector.broadcast %add3A_87 : i32 to vector<16xi32>
    %add3A_89 = arith.addi %iota3A, %add3A_88 : vector<16xi32>
    %jit3A_90 = arith.constant 96 : i32
    %broadcast_in_dim3A_91 = vector.broadcast %jit3A_90 : i32 to vector<16xi32>
    %select_n3A_92 = arith.select %eq3A_86, %add3A_89, %broadcast_in_dim3A_91 : vector<16xi1>, vector<16xi32>
    %min3A_93 = arith.minsi %min3A_85, %select_n3A_92 : vector<16xi32>
    %eq3A_94 = arith.cmpf oeq, %get3A_27, %max3A_58 : vector<16xf32>
    %add3A_95 = arith.constant 64 : i32
    %add3A_96 = vector.broadcast %add3A_95 : i32 to vector<16xi32>
    %add3A_97 = arith.addi %iota3A, %add3A_96 : vector<16xi32>
    %jit3A_98 = arith.constant 96 : i32
    %broadcast_in_dim3A_99 = vector.broadcast %jit3A_98 : i32 to vector<16xi32>
    %select_n3A_100 = arith.select %eq3A_94, %add3A_97, %broadcast_in_dim3A_99 : vector<16xi1>, vector<16xi32>
    %min3A_101 = arith.minsi %min3A_93, %select_n3A_100 : vector<16xi32>
    %eq3A_102 = arith.cmpf oeq, %get3A_29, %max3A_58 : vector<16xf32>
    %add3A_103 = arith.constant 80 : i32
    %add3A_104 = vector.broadcast %add3A_103 : i32 to vector<16xi32>
    %add3A_105 = arith.addi %iota3A, %add3A_104 : vector<16xi32>
    %jit3A_106 = arith.constant 96 : i32
    %broadcast_in_dim3A_107 = vector.broadcast %jit3A_106 : i32 to vector<16xi32>
    %select_n3A_108 = arith.select %eq3A_102, %add3A_105, %broadcast_in_dim3A_107 : vector<16xi1>, vector<16xi32>
    %min3A_109 = arith.minsi %min3A_101, %select_n3A_108 : vector<16xi32>
    %swap3A_110 = arith.constant 0 : index
    %swap3A_111 = tpu.vector_load %arg8[%swap3A_110] {strides = array<i32>} : memref<16xi32, #tpu.memory_space<vmem>>, vector<16xi32>,
    tpu.vector_store %arg8[%swap3A_110], %min3A_109 {strides = array<i32>} : memref<16xi32, #tpu.memory_space<vmem>>, vector<16xi32>,
    %xor3A_112 = arith.constant 8 : i32
    %xor3A_113 = vector.broadcast %xor3A_112 : i32 to vector<16xi32>
    %xor3A_114 = arith.xori %iota3A, %xor3A_113 : vector<16xi32>
    %gather3A_115 = tpu.vector_load_idx %arg8[%xor3A_114] : memref<16xi32, #tpu.memory_space<vmem>>[vector<16xi32>], vector<16xi32>,
    %min3A_116 = arith.minsi %min3A_109, %gather3A_115 : vector<16xi32>
    %swap3A_117 = arith.constant 0 : index
    %swap3A_118 = tpu.vector_load %arg8[%swap3A_117] {strides = array<i32>} : memref<16xi32, #tpu.memory_space<vmem>>, vector<16xi32>,
    tpu.vector_store %arg8[%swap3A_117], %min3A_116 {strides = array<i32>} : memref<16xi32, #tpu.memory_space<vmem>>, vector<16xi32>,
    %xor3A_119 = arith.constant 4 : i32
    %xor3A_120 = vector.broadcast %xor3A_119 : i32 to vector<16xi32>
    %xor3A_121 = arith.xori %iota3A, %xor3A_120 : vector<16xi32>
    %gather3A_122 = tpu.vector_load_idx %arg8[%xor3A_121] : memref<16xi32, #tpu.memory_space<vmem>>[vector<16xi32>], vector<16xi32>,
    %min3A_123 = arith.minsi %min3A_116, %gather3A_122 : vector<16xi32>
    %swap3A_124 = arith.constant 0 : index
    %swap3A_125 = tpu.vector_load %arg8[%swap3A_124] {strides = array<i32>} : memref<16xi32, #tpu.memory_space<vmem>>, vector<16xi32>,
    tpu.vector_store %arg8[%swap3A_124], %min3A_123 {strides = array<i32>} : memref<16xi32, #tpu.memory_space<vmem>>, vector<16xi32>,
    %xor3A_126 = arith.constant 2 : i32
    %xor3A_127 = vector.broadcast %xor3A_126 : i32 to vector<16xi32>
    %xor3A_128 = arith.xori %iota3A, %xor3A_127 : vector<16xi32>
    %gather3A_129 = tpu.vector_load_idx %arg8[%xor3A_128] : memref<16xi32, #tpu.memory_space<vmem>>[vector<16xi32>], vector<16xi32>,
    %min3A_130 = arith.minsi %min3A_123, %gather3A_129 : vector<16xi32>
    %swap3A_131 = arith.constant 0 : index
    %swap3A_132 = tpu.vector_load %arg8[%swap3A_131] {strides = array<i32>} : memref<16xi32, #tpu.memory_space<vmem>>, vector<16xi32>,
    tpu.vector_store %arg8[%swap3A_131], %min3A_130 {strides = array<i32>} : memref<16xi32, #tpu.memory_space<vmem>>, vector<16xi32>,
    %xor3A_133 = arith.constant 1 : i32
    %xor3A_134 = vector.broadcast %xor3A_133 : i32 to vector<16xi32>
    %xor3A_135 = arith.xori %iota3A, %xor3A_134 : vector<16xi32>
    %gather3A_136 = tpu.vector_load_idx %arg8[%xor3A_135] : memref<16xi32, #tpu.memory_space<vmem>>[vector<16xi32>], vector<16xi32>,
    %min3A_137 = arith.minsi %min3A_130, %gather3A_136 : vector<16xi32>
    %add3A_138 = arith.constant 0 : i32
    %add3A_139 = arith.addi %mul3A_2, %add3A_138 : i32
    %dma_start3A = arith.constant 0 : i32
    %dma_start3A_140 = tpu.memref_slice %arg2[%add3A_139, %dma_start3A] : memref<401408x96xf32, #tpu.memory_space<hbm>> -> memref<112x96xf32, #tpu.memory_space<hbm>>
    %dma_start3A_141 = arith.constant 0 : i32
    %dma_start3A_142 = tpu.memref_slice %arg2[%add3A_139, %dma_start3A_141] : memref<401408x96xf32, #tpu.memory_space<hbm>> -> memref<112x96xf32, #tpu.memory_space<hbm>>
    tpu.enqueue_dma source(%dma_start3A_142 : memref<112x96xf32, #tpu.memory_space<hbm>>) target(%arg9 : memref<112x96xf32, #tpu.memory_space<vmem>>) target_semaphore(%arg14 : memref<!tpu.dma_semaphore, #tpu.memory_space<semaphore_mem>>)
    %add3A_143 = arith.constant 0 : i32
    %add3A_144 = arith.addi %mul3A_2, %add3A_143 : i32
    %dma_start3A_145 = arith.constant 0 : i32
    %dma_start3A_146 = tpu.memref_slice %arg3[%add3A_144, %dma_start3A_145] : memref<401408x96xf32, #tpu.memory_space<hbm>> -> memref<112x96xf32, #tpu.memory_space<hbm>>
    %dma_start3A_147 = arith.constant 0 : i32
    %dma_start3A_148 = tpu.memref_slice %arg3[%add3A_144, %dma_start3A_147] : memref<401408x96xf32, #tpu.memory_space<hbm>> -> memref<112x96xf32, #tpu.memory_space<hbm>>
    tpu.enqueue_dma source(%dma_start3A_148 : memref<112x96xf32, #tpu.memory_space<hbm>>) target(%arg11 : memref<112x96xf32, #tpu.memory_space<vmem>>) target_semaphore(%arg16 : memref<!tpu.dma_semaphore, #tpu.memory_space<semaphore_mem>>)
    %add3A_149 = arith.constant 112 : i32
    %add3A_150 = arith.addi %mul3A_2, %add3A_149 : i32
    %dma_start3A_151 = arith.constant 0 : i32
    %dma_start3A_152 = tpu.memref_slice %arg2[%add3A_150, %dma_start3A_151] : memref<401408x96xf32, #tpu.memory_space<hbm>> -> memref<112x96xf32, #tpu.memory_space<hbm>>
    %dma_start3A_153 = arith.constant 0 : i32
    %dma_start3A_154 = tpu.memref_slice %arg2[%add3A_150, %dma_start3A_153] : memref<401408x96xf32, #tpu.memory_space<hbm>> -> memref<112x96xf32, #tpu.memory_space<hbm>>
    tpu.enqueue_dma source(%dma_start3A_154 : memref<112x96xf32, #tpu.memory_space<hbm>>) target(%arg10 : memref<112x96xf32, #tpu.memory_space<vmem>>) target_semaphore(%arg15 : memref<!tpu.dma_semaphore, #tpu.memory_space<semaphore_mem>>)
    %add3A_155 = arith.constant 112 : i32
    %add3A_156 = arith.addi %mul3A_2, %add3A_155 : i32
    %dma_start3A_157 = arith.constant 0 : i32
    %dma_start3A_158 = tpu.memref_slice %arg3[%add3A_156, %dma_start3A_157] : memref<401408x96xf32, #tpu.memory_space<hbm>> -> memref<112x96xf32, #tpu.memory_space<hbm>>
    %dma_start3A_159 = arith.constant 0 : i32
    %dma_start3A_160 = tpu.memref_slice %arg3[%add3A_156, %dma_start3A_159] : memref<401408x96xf32, #tpu.memory_space<hbm>> -> memref<112x96xf32, #tpu.memory_space<hbm>>
    tpu.enqueue_dma source(%dma_start3A_160 : memref<112x96xf32, #tpu.memory_space<hbm>>) target(%arg12 : memref<112x96xf32, #tpu.memory_space<vmem>>) target_semaphore(%arg17 : memref<!tpu.dma_semaphore, #tpu.memory_space<semaphore_mem>>)
    %scan3A = arith.constant 0 : i32
    %scan3A_161 = arith.constant 0 : i32
    %scan3A_162 = arith.constant 55 : i32
    %scan3A_163 = arith.addi %scan3A_161, %scan3A_162 : i32
    %scan3A_164 = arith.constant 1 : i32
    scf.for %scan3A_293 = %scan3A_161 to %scan3A_163 step %scan3A_164  : i32 {
      %mul3A_294 = arith.constant 2 : i32
      %mul3A_295 = arith.muli %scan3A_293, %mul3A_294 : i32
      %dma_wait3A_296 = arith.constant 0 : i32
      %dma_wait3A_297 = tpu.memref_slice %arg2[%mul3A_2, %dma_wait3A_296] : memref<401408x96xf32, #tpu.memory_space<hbm>> -> memref<112x96xf32, #tpu.memory_space<hbm>>
      %dma_wait3A_298 = arith.constant 0 : i32
      %dma_wait3A_299 = tpu.memref_slice %arg2[%mul3A_2, %dma_wait3A_298] : memref<401408x96xf32, #tpu.memory_space<hbm>> -> memref<112x96xf32, #tpu.memory_space<hbm>>
      tpu.wait_dma2 semaphore(%arg14 : memref<!tpu.dma_semaphore, #tpu.memory_space<semaphore_mem>>) src(%dma_wait3A_299 : memref<112x96xf32, #tpu.memory_space<hbm>>) dst(%arg9 : memref<112x96xf32, #tpu.memory_space<vmem>>)
      %dma_wait3A_300 = arith.constant 0 : i32
      %dma_wait3A_301 = tpu.memref_slice %arg3[%mul3A_2, %dma_wait3A_300] : memref<401408x96xf32, #tpu.memory_space<hbm>> -> memref<112x96xf32, #tpu.memory_space<hbm>>
      %dma_wait3A_302 = arith.constant 0 : i32
      %dma_wait3A_303 = tpu.memref_slice %arg3[%mul3A_2, %dma_wait3A_302] : memref<401408x96xf32, #tpu.memory_space<hbm>> -> memref<112x96xf32, #tpu.memory_space<hbm>>
      tpu.wait_dma2 semaphore(%arg16 : memref<!tpu.dma_semaphore, #tpu.memory_space<semaphore_mem>>) src(%dma_wait3A_303 : memref<112x96xf32, #tpu.memory_space<hbm>>) dst(%arg11 : memref<112x96xf32, #tpu.memory_space<vmem>>)
      %add3A_304 = arith.constant 0 : i32
      %add3A_305 = vector.broadcast %add3A_304 : i32 to vector<16xi32>
      %add3A_306 = arith.addi %iota3A, %add3A_305 : vector<16xi32>
      %gather3A_307 = tpu.vector_load_idx %arg9[%add3A_306, %min3A_137] : memref<112x96xf32, #tpu.memory_space<vmem>>[vector<16xi32>, vector<16xi32>], vector<16xf32>,
      %gather3A_308 = tpu.vector_load_idx %arg11[%add3A_306, %min3A_137] : memref<112x96xf32, #tpu.memory_space<vmem>>[vector<16xi32>, vector<16xi32>], vector<16xf32>,
      %add3A_309 = arith.addf %gather3A_307, %gather3A_308 : vector<16xf32>
      %mul3A_310 = arith.constant 112 : i32
      %mul3A_311 = arith.muli %mul3A_295, %mul3A_310 : i32
      %add3A_312 = arith.constant 0 : i32
      %add3A_313 = arith.addi %mul3A_311, %add3A_312 : i32
      %swap3A_314 = arith.index_cast %add3A_313 : i32 to index
      %swap3A_315 = tpu.vector_load %arg13[%swap3A_314] {strides = array<i32>} : memref<12544xf32, #tpu.memory_space<vmem>>, vector<16xf32>,
      tpu.vector_store %arg13[%swap3A_314], %add3A_309 {strides = array<i32>} : memref<12544xf32, #tpu.memory_space<vmem>>, vector<16xf32>,
      %add3A_316 = arith.constant 16 : i32
      %add3A_317 = vector.broadcast %add3A_316 : i32 to vector<16xi32>
      %add3A_318 = arith.addi %iota3A, %add3A_317 : vector<16xi32>
      %gather3A_319 = tpu.vector_load_idx %arg9[%add3A_318, %min3A_137] : memref<112x96xf32, #tpu.memory_space<vmem>>[vector<16xi32>, vector<16xi32>], vector<16xf32>,
      %gather3A_320 = tpu.vector_load_idx %arg11[%add3A_318, %min3A_137] : memref<112x96xf32, #tpu.memory_space<vmem>>[vector<16xi32>, vector<16xi32>], vector<16xf32>,
      %add3A_321 = arith.addf %gather3A_319, %gather3A_320 : vector<16xf32>
      %mul3A_322 = arith.constant 112 : i32
      %mul3A_323 = arith.muli %mul3A_295, %mul3A_322 : i32
      %add3A_324 = arith.constant 16 : i32
      %add3A_325 = arith.addi %mul3A_323, %add3A_324 : i32
      %swap3A_326 = arith.index_cast %add3A_325 : i32 to index
      %swap3A_327 = tpu.vector_load %arg13[%swap3A_326] {strides = array<i32>} : memref<12544xf32, #tpu.memory_space<vmem>>, vector<16xf32>,
      tpu.vector_store %arg13[%swap3A_326], %add3A_321 {strides = array<i32>} : memref<12544xf32, #tpu.memory_space<vmem>>, vector<16xf32>,
      %add3A_328 = arith.constant 32 : i32
      %add3A_329 = vector.broadcast %add3A_328 : i32 to vector<16xi32>
      %add3A_330 = arith.addi %iota3A, %add3A_329 : vector<16xi32>
      %gather3A_331 = tpu.vector_load_idx %arg9[%add3A_330, %min3A_137] : memref<112x96xf32, #tpu.memory_space<vmem>>[vector<16xi32>, vector<16xi32>], vector<16xf32>,
      %gather3A_332 = tpu.vector_load_idx %arg11[%add3A_330, %min3A_137] : memref<112x96xf32, #tpu.memory_space<vmem>>[vector<16xi32>, vector<16xi32>], vector<16xf32>,
      %add3A_333 = arith.addf %gather3A_331, %gather3A_332 : vector<16xf32>
      %mul3A_334 = arith.constant 112 : i32
      %mul3A_335 = arith.muli %mul3A_295, %mul3A_334 : i32
      %add3A_336 = arith.constant 32 : i32
      %add3A_337 = arith.addi %mul3A_335, %add3A_336 : i32
      %swap3A_338 = arith.index_cast %add3A_337 : i32 to index
      %swap3A_339 = tpu.vector_load %arg13[%swap3A_338] {strides = array<i32>} : memref<12544xf32, #tpu.memory_space<vmem>>, vector<16xf32>,
      tpu.vector_store %arg13[%swap3A_338], %add3A_333 {strides = array<i32>} : memref<12544xf32, #tpu.memory_space<vmem>>, vector<16xf32>,
      %add3A_340 = arith.constant 48 : i32
      %add3A_341 = vector.broadcast %add3A_340 : i32 to vector<16xi32>
      %add3A_342 = arith.addi %iota3A, %add3A_341 : vector<16xi32>
      %gather3A_343 = tpu.vector_load_idx %arg9[%add3A_342, %min3A_137] : memref<112x96xf32, #tpu.memory_space<vmem>>[vector<16xi32>, vector<16xi32>], vector<16xf32>,
      %gather3A_344 = tpu.vector_load_idx %arg11[%add3A_342, %min3A_137] : memref<112x96xf32, #tpu.memory_space<vmem>>[vector<16xi32>, vector<16xi32>], vector<16xf32>,
      %add3A_345 = arith.addf %gather3A_343, %gather3A_344 : vector<16xf32>
      %mul3A_346 = arith.constant 112 : i32
      %mul3A_347 = arith.muli %mul3A_295, %mul3A_346 : i32
      %add3A_348 = arith.constant 48 : i32
      %add3A_349 = arith.addi %mul3A_347, %add3A_348 : i32
      %swap3A_350 = arith.index_cast %add3A_349 : i32 to index
      %swap3A_351 = tpu.vector_load %arg13[%swap3A_350] {strides = array<i32>} : memref<12544xf32, #tpu.memory_space<vmem>>, vector<16xf32>,
      tpu.vector_store %arg13[%swap3A_350], %add3A_345 {strides = array<i32>} : memref<12544xf32, #tpu.memory_space<vmem>>, vector<16xf32>,
      %add3A_352 = arith.constant 64 : i32
      %add3A_353 = vector.broadcast %add3A_352 : i32 to vector<16xi32>
      %add3A_354 = arith.addi %iota3A, %add3A_353 : vector<16xi32>
      %gather3A_355 = tpu.vector_load_idx %arg9[%add3A_354, %min3A_137] : memref<112x96xf32, #tpu.memory_space<vmem>>[vector<16xi32>, vector<16xi32>], vector<16xf32>,
      %gather3A_356 = tpu.vector_load_idx %arg11[%add3A_354, %min3A_137] : memref<112x96xf32, #tpu.memory_space<vmem>>[vector<16xi32>, vector<16xi32>], vector<16xf32>,
      %add3A_357 = arith.addf %gather3A_355, %gather3A_356 : vector<16xf32>
      %mul3A_358 = arith.constant 112 : i32
      %mul3A_359 = arith.muli %mul3A_295, %mul3A_358 : i32
      %add3A_360 = arith.constant 64 : i32
      %add3A_361 = arith.addi %mul3A_359, %add3A_360 : i32
      %swap3A_362 = arith.index_cast %add3A_361 : i32 to index
      %swap3A_363 = tpu.vector_load %arg13[%swap3A_362] {strides = array<i32>} : memref<12544xf32, #tpu.memory_space<vmem>>, vector<16xf32>,
      tpu.vector_store %arg13[%swap3A_362], %add3A_357 {strides = array<i32>} : memref<12544xf32, #tpu.memory_space<vmem>>, vector<16xf32>,
      %add3A_364 = arith.constant 80 : i32
      %add3A_365 = vector.broadcast %add3A_364 : i32 to vector<16xi32>
      %add3A_366 = arith.addi %iota3A, %add3A_365 : vector<16xi32>
      %gather3A_367 = tpu.vector_load_idx %arg9[%add3A_366, %min3A_137] : memref<112x96xf32, #tpu.memory_space<vmem>>[vector<16xi32>, vector<16xi32>], vector<16xf32>,
      %gather3A_368 = tpu.vector_load_idx %arg11[%add3A_366, %min3A_137] : memref<112x96xf32, #tpu.memory_space<vmem>>[vector<16xi32>, vector<16xi32>], vector<16xf32>,
      %add3A_369 = arith.addf %gather3A_367, %gather3A_368 : vector<16xf32>
      %mul3A_370 = arith.constant 112 : i32
      %mul3A_371 = arith.muli %mul3A_295, %mul3A_370 : i32
      %add3A_372 = arith.constant 80 : i32
      %add3A_373 = arith.addi %mul3A_371, %add3A_372 : i32
      %swap3A_374 = arith.index_cast %add3A_373 : i32 to index
      %swap3A_375 = tpu.vector_load %arg13[%swap3A_374] {strides = array<i32>} : memref<12544xf32, #tpu.memory_space<vmem>>, vector<16xf32>,
      tpu.vector_store %arg13[%swap3A_374], %add3A_369 {strides = array<i32>} : memref<12544xf32, #tpu.memory_space<vmem>>, vector<16xf32>,
      %add3A_376 = arith.constant 96 : i32
      %add3A_377 = vector.broadcast %add3A_376 : i32 to vector<16xi32>
      %add3A_378 = arith.addi %iota3A, %add3A_377 : vector<16xi32>
      %gather3A_379 = tpu.vector_load_idx %arg9[%add3A_378, %min3A_137] : memref<112x96xf32, #tpu.memory_space<vmem>>[vector<16xi32>, vector<16xi32>], vector<16xf32>,
      %gather3A_380 = tpu.vector_load_idx %arg11[%add3A_378, %min3A_137] : memref<112x96xf32, #tpu.memory_space<vmem>>[vector<16xi32>, vector<16xi32>], vector<16xf32>,
      %add3A_381 = arith.addf %gather3A_379, %gather3A_380 : vector<16xf32>
      %mul3A_382 = arith.constant 112 : i32
      %mul3A_383 = arith.muli %mul3A_295, %mul3A_382 : i32
      %add3A_384 = arith.constant 96 : i32
      %add3A_385 = arith.addi %mul3A_383, %add3A_384 : i32
      %swap3A_386 = arith.index_cast %add3A_385 : i32 to index
      %swap3A_387 = tpu.vector_load %arg13[%swap3A_386] {strides = array<i32>} : memref<12544xf32, #tpu.memory_space<vmem>>, vector<16xf32>,
      tpu.vector_store %arg13[%swap3A_386], %add3A_381 {strides = array<i32>} : memref<12544xf32, #tpu.memory_space<vmem>>, vector<16xf32>,
      %add3A_388 = arith.constant 2 : i32
      %add3A_389 = arith.addi %mul3A_295, %add3A_388 : i32
      %mul3A_390 = arith.constant 112 : i32
      %mul3A_391 = arith.muli %add3A_389, %mul3A_390 : i32
      %add3A_392 = arith.addi %mul3A_2, %mul3A_391 : i32
      %dma_start3A_393 = arith.constant 0 : i32
      %dma_start3A_394 = tpu.memref_slice %arg2[%add3A_392, %dma_start3A_393] : memref<401408x96xf32, #tpu.memory_space<hbm>> -> memref<112x96xf32, #tpu.memory_space<hbm>>
      %dma_start3A_395 = arith.constant 0 : i32
      %dma_start3A_396 = tpu.memref_slice %arg2[%add3A_392, %dma_start3A_395] : memref<401408x96xf32, #tpu.memory_space<hbm>> -> memref<112x96xf32, #tpu.memory_space<hbm>>
      tpu.enqueue_dma source(%dma_start3A_396 : memref<112x96xf32, #tpu.memory_space<hbm>>) target(%arg9 : memref<112x96xf32, #tpu.memory_space<vmem>>) target_semaphore(%arg14 : memref<!tpu.dma_semaphore, #tpu.memory_space<semaphore_mem>>)
      %mul3A_397 = arith.constant 112 : i32
      %mul3A_398 = arith.muli %add3A_389, %mul3A_397 : i32
      %add3A_399 = arith.addi %mul3A_2, %mul3A_398 : i32
      %dma_start3A_400 = arith.constant 0 : i32
      %dma_start3A_401 = tpu.memref_slice %arg3[%add3A_399, %dma_start3A_400] : memref<401408x96xf32, #tpu.memory_space<hbm>> -> memref<112x96xf32, #tpu.memory_space<hbm>>
      %dma_start3A_402 = arith.constant 0 : i32
      %dma_start3A_403 = tpu.memref_slice %arg3[%add3A_399, %dma_start3A_402] : memref<401408x96xf32, #tpu.memory_space<hbm>> -> memref<112x96xf32, #tpu.memory_space<hbm>>
      tpu.enqueue_dma source(%dma_start3A_403 : memref<112x96xf32, #tpu.memory_space<hbm>>) target(%arg11 : memref<112x96xf32, #tpu.memory_space<vmem>>) target_semaphore(%arg16 : memref<!tpu.dma_semaphore, #tpu.memory_space<semaphore_mem>>)
      %add3A_404 = arith.constant 1 : i32
      %add3A_405 = arith.addi %mul3A_295, %add3A_404 : i32
      %dma_wait3A_406 = arith.constant 0 : i32
      %dma_wait3A_407 = tpu.memref_slice %arg2[%mul3A_2, %dma_wait3A_406] : memref<401408x96xf32, #tpu.memory_space<hbm>> -> memref<112x96xf32, #tpu.memory_space<hbm>>
      %dma_wait3A_408 = arith.constant 0 : i32
      %dma_wait3A_409 = tpu.memref_slice %arg2[%mul3A_2, %dma_wait3A_408] : memref<401408x96xf32, #tpu.memory_space<hbm>> -> memref<112x96xf32, #tpu.memory_space<hbm>>
      tpu.wait_dma2 semaphore(%arg15 : memref<!tpu.dma_semaphore, #tpu.memory_space<semaphore_mem>>) src(%dma_wait3A_409 : memref<112x96xf32, #tpu.memory_space<hbm>>) dst(%arg10 : memref<112x96xf32, #tpu.memory_space<vmem>>)
      %dma_wait3A_410 = arith.constant 0 : i32
      %dma_wait3A_411 = tpu.memref_slice %arg3[%mul3A_2, %dma_wait3A_410] : memref<401408x96xf32, #tpu.memory_space<hbm>> -> memref<112x96xf32, #tpu.memory_space<hbm>>
      %dma_wait3A_412 = arith.constant 0 : i32
      %dma_wait3A_413 = tpu.memref_slice %arg3[%mul3A_2, %dma_wait3A_412] : memref<401408x96xf32, #tpu.memory_space<hbm>> -> memref<112x96xf32, #tpu.memory_space<hbm>>
      tpu.wait_dma2 semaphore(%arg17 : memref<!tpu.dma_semaphore, #tpu.memory_space<semaphore_mem>>) src(%dma_wait3A_413 : memref<112x96xf32, #tpu.memory_space<hbm>>) dst(%arg12 : memref<112x96xf32, #tpu.memory_space<vmem>>)
      %add3A_414 = arith.constant 0 : i32
      %add3A_415 = vector.broadcast %add3A_414 : i32 to vector<16xi32>
      %add3A_416 = arith.addi %iota3A, %add3A_415 : vector<16xi32>
      %gather3A_417 = tpu.vector_load_idx %arg10[%add3A_416, %min3A_137] : memref<112x96xf32, #tpu.memory_space<vmem>>[vector<16xi32>, vector<16xi32>], vector<16xf32>,
      %gather3A_418 = tpu.vector_load_idx %arg12[%add3A_416, %min3A_137] : memref<112x96xf32, #tpu.memory_space<vmem>>[vector<16xi32>, vector<16xi32>], vector<16xf32>,
      %add3A_419 = arith.addf %gather3A_417, %gather3A_418 : vector<16xf32>
      %mul3A_420 = arith.constant 112 : i32
      %mul3A_421 = arith.muli %add3A_405, %mul3A_420 : i32
      %add3A_422 = arith.constant 0 : i32
      %add3A_423 = arith.addi %mul3A_421, %add3A_422 : i32
      %swap3A_424 = arith.index_cast %add3A_423 : i32 to index
      %swap3A_425 = tpu.vector_load %arg13[%swap3A_424] {strides = array<i32>} : memref<12544xf32, #tpu.memory_space<vmem>>, vector<16xf32>,
      tpu.vector_store %arg13[%swap3A_424], %add3A_419 {strides = array<i32>} : memref<12544xf32, #tpu.memory_space<vmem>>, vector<16xf32>,
      %add3A_426 = arith.constant 16 : i32
      %add3A_427 = vector.broadcast %add3A_426 : i32 to vector<16xi32>
      %add3A_428 = arith.addi %iota3A, %add3A_427 : vector<16xi32>
      %gather3A_429 = tpu.vector_load_idx %arg10[%add3A_428, %min3A_137] : memref<112x96xf32, #tpu.memory_space<vmem>>[vector<16xi32>, vector<16xi32>], vector<16xf32>,
      %gather3A_430 = tpu.vector_load_idx %arg12[%add3A_428, %min3A_137] : memref<112x96xf32, #tpu.memory_space<vmem>>[vector<16xi32>, vector<16xi32>], vector<16xf32>,
      %add3A_431 = arith.addf %gather3A_429, %gather3A_430 : vector<16xf32>
      %mul3A_432 = arith.constant 112 : i32
      %mul3A_433 = arith.muli %add3A_405, %mul3A_432 : i32
      %add3A_434 = arith.constant 16 : i32
      %add3A_435 = arith.addi %mul3A_433, %add3A_434 : i32
      %swap3A_436 = arith.index_cast %add3A_435 : i32 to index
      %swap3A_437 = tpu.vector_load %arg13[%swap3A_436] {strides = array<i32>} : memref<12544xf32, #tpu.memory_space<vmem>>, vector<16xf32>,
      tpu.vector_store %arg13[%swap3A_436], %add3A_431 {strides = array<i32>} : memref<12544xf32, #tpu.memory_space<vmem>>, vector<16xf32>,
      %add3A_438 = arith.constant 32 : i32
      %add3A_439 = vector.broadcast %add3A_438 : i32 to vector<16xi32>
      %add3A_440 = arith.addi %iota3A, %add3A_439 : vector<16xi32>
      %gather3A_441 = tpu.vector_load_idx %arg10[%add3A_440, %min3A_137] : memref<112x96xf32, #tpu.memory_space<vmem>>[vector<16xi32>, vector<16xi32>], vector<16xf32>,
      %gather3A_442 = tpu.vector_load_idx %arg12[%add3A_440, %min3A_137] : memref<112x96xf32, #tpu.memory_space<vmem>>[vector<16xi32>, vector<16xi32>], vector<16xf32>,
      %add3A_443 = arith.addf %gather3A_441, %gather3A_442 : vector<16xf32>
      %mul3A_444 = arith.constant 112 : i32
      %mul3A_445 = arith.muli %add3A_405, %mul3A_444 : i32
      %add3A_446 = arith.constant 32 : i32
      %add3A_447 = arith.addi %mul3A_445, %add3A_446 : i32
      %swap3A_448 = arith.index_cast %add3A_447 : i32 to index
      %swap3A_449 = tpu.vector_load %arg13[%swap3A_448] {strides = array<i32>} : memref<12544xf32, #tpu.memory_space<vmem>>, vector<16xf32>,
      tpu.vector_store %arg13[%swap3A_448], %add3A_443 {strides = array<i32>} : memref<12544xf32, #tpu.memory_space<vmem>>, vector<16xf32>,
      %add3A_450 = arith.constant 48 : i32
      %add3A_451 = vector.broadcast %add3A_450 : i32 to vector<16xi32>
      %add3A_452 = arith.addi %iota3A, %add3A_451 : vector<16xi32>
      %gather3A_453 = tpu.vector_load_idx %arg10[%add3A_452, %min3A_137] : memref<112x96xf32, #tpu.memory_space<vmem>>[vector<16xi32>, vector<16xi32>], vector<16xf32>,
      %gather3A_454 = tpu.vector_load_idx %arg12[%add3A_452, %min3A_137] : memref<112x96xf32, #tpu.memory_space<vmem>>[vector<16xi32>, vector<16xi32>], vector<16xf32>,
      %add3A_455 = arith.addf %gather3A_453, %gather3A_454 : vector<16xf32>
      %mul3A_456 = arith.constant 112 : i32
      %mul3A_457 = arith.muli %add3A_405, %mul3A_456 : i32
      %add3A_458 = arith.constant 48 : i32
      %add3A_459 = arith.addi %mul3A_457, %add3A_458 : i32
      %swap3A_460 = arith.index_cast %add3A_459 : i32 to index
      %swap3A_461 = tpu.vector_load %arg13[%swap3A_460] {strides = array<i32>} : memref<12544xf32, #tpu.memory_space<vmem>>, vector<16xf32>,
      tpu.vector_store %arg13[%swap3A_460], %add3A_455 {strides = array<i32>} : memref<12544xf32, #tpu.memory_space<vmem>>, vector<16xf32>,
      %add3A_462 = arith.constant 64 : i32
      %add3A_463 = vector.broadcast %add3A_462 : i32 to vector<16xi32>
      %add3A_464 = arith.addi %iota3A, %add3A_463 : vector<16xi32>
      %gather3A_465 = tpu.vector_load_idx %arg10[%add3A_464, %min3A_137] : memref<112x96xf32, #tpu.memory_space<vmem>>[vector<16xi32>, vector<16xi32>], vector<16xf32>,
      %gather3A_466 = tpu.vector_load_idx %arg12[%add3A_464, %min3A_137] : memref<112x96xf32, #tpu.memory_space<vmem>>[vector<16xi32>, vector<16xi32>], vector<16xf32>,
      %add3A_467 = arith.addf %gather3A_465, %gather3A_466 : vector<16xf32>
      %mul3A_468 = arith.constant 112 : i32
      %mul3A_469 = arith.muli %add3A_405, %mul3A_468 : i32
      %add3A_470 = arith.constant 64 : i32
      %add3A_471 = arith.addi %mul3A_469, %add3A_470 : i32
      %swap3A_472 = arith.index_cast %add3A_471 : i32 to index
      %swap3A_473 = tpu.vector_load %arg13[%swap3A_472] {strides = array<i32>} : memref<12544xf32, #tpu.memory_space<vmem>>, vector<16xf32>,
      tpu.vector_store %arg13[%swap3A_472], %add3A_467 {strides = array<i32>} : memref<12544xf32, #tpu.memory_space<vmem>>, vector<16xf32>,
      %add3A_474 = arith.constant 80 : i32
      %add3A_475 = vector.broadcast %add3A_474 : i32 to vector<16xi32>
      %add3A_476 = arith.addi %iota3A, %add3A_475 : vector<16xi32>
      %gather3A_477 = tpu.vector_load_idx %arg10[%add3A_476, %min3A_137] : memref<112x96xf32, #tpu.memory_space<vmem>>[vector<16xi32>, vector<16xi32>], vector<16xf32>,
      %gather3A_478 = tpu.vector_load_idx %arg12[%add3A_476, %min3A_137] : memref<112x96xf32, #tpu.memory_space<vmem>>[vector<16xi32>, vector<16xi32>], vector<16xf32>,
      %add3A_479 = arith.addf %gather3A_477, %gather3A_478 : vector<16xf32>
      %mul3A_480 = arith.constant 112 : i32
      %mul3A_481 = arith.muli %add3A_405, %mul3A_480 : i32
      %add3A_482 = arith.constant 80 : i32
      %add3A_483 = arith.addi %mul3A_481, %add3A_482 : i32
      %swap3A_484 = arith.index_cast %add3A_483 : i32 to index
      %swap3A_485 = tpu.vector_load %arg13[%swap3A_484] {strides = array<i32>} : memref<12544xf32, #tpu.memory_space<vmem>>, vector<16xf32>,
      tpu.vector_store %arg13[%swap3A_484], %add3A_479 {strides = array<i32>} : memref<12544xf32, #tpu.memory_space<vmem>>, vector<16xf32>,
      %add3A_486 = arith.constant 96 : i32
      %add3A_487 = vector.broadcast %add3A_486 : i32 to vector<16xi32>
      %add3A_488 = arith.addi %iota3A, %add3A_487 : vector<16xi32>
      %gather3A_489 = tpu.vector_load_idx %arg10[%add3A_488, %min3A_137] : memref<112x96xf32, #tpu.memory_space<vmem>>[vector<16xi32>, vector<16xi32>], vector<16xf32>,
      %gather3A_490 = tpu.vector_load_idx %arg12[%add3A_488, %min3A_137] : memref<112x96xf32, #tpu.memory_space<vmem>>[vector<16xi32>, vector<16xi32>], vector<16xf32>,
      %add3A_491 = arith.addf %gather3A_489, %gather3A_490 : vector<16xf32>
      %mul3A_492 = arith.constant 112 : i32
      %mul3A_493 = arith.muli %add3A_405, %mul3A_492 : i32
      %add3A_494 = arith.constant 96 : i32
      %add3A_495 = arith.addi %mul3A_493, %add3A_494 : i32
      %swap3A_496 = arith.index_cast %add3A_495 : i32 to index
      %swap3A_497 = tpu.vector_load %arg13[%swap3A_496] {strides = array<i32>} : memref<12544xf32, #tpu.memory_space<vmem>>, vector<16xf32>,
      tpu.vector_store %arg13[%swap3A_496], %add3A_491 {strides = array<i32>} : memref<12544xf32, #tpu.memory_space<vmem>>, vector<16xf32>,
      %add3A_498 = arith.constant 3 : i32
      %add3A_499 = arith.addi %mul3A_295, %add3A_498 : i32
      %mul3A_500 = arith.constant 112 : i32
      %mul3A_501 = arith.muli %add3A_499, %mul3A_500 : i32
      %add3A_502 = arith.addi %mul3A_2, %mul3A_501 : i32
      %dma_start3A_503 = arith.constant 0 : i32
      %dma_start3A_504 = tpu.memref_slice %arg2[%add3A_502, %dma_start3A_503] : memref<401408x96xf32, #tpu.memory_space<hbm>> -> memref<112x96xf32, #tpu.memory_space<hbm>>
      %dma_start3A_505 = arith.constant 0 : i32
      %dma_start3A_506 = tpu.memref_slice %arg2[%add3A_502, %dma_start3A_505] : memref<401408x96xf32, #tpu.memory_space<hbm>> -> memref<112x96xf32, #tpu.memory_space<hbm>>
      tpu.enqueue_dma source(%dma_start3A_506 : memref<112x96xf32, #tpu.memory_space<hbm>>) target(%arg10 : memref<112x96xf32, #tpu.memory_space<vmem>>) target_semaphore(%arg15 : memref<!tpu.dma_semaphore, #tpu.memory_space<semaphore_mem>>)
      %mul3A_507 = arith.constant 112 : i32
      %mul3A_508 = arith.muli %add3A_499, %mul3A_507 : i32
      %add3A_509 = arith.addi %mul3A_2, %mul3A_508 : i32
      %dma_start3A_510 = arith.constant 0 : i32
      %dma_start3A_511 = tpu.memref_slice %arg3[%add3A_509, %dma_start3A_510] : memref<401408x96xf32, #tpu.memory_space<hbm>> -> memref<112x96xf32, #tpu.memory_space<hbm>>
      %dma_start3A_512 = arith.constant 0 : i32
      %dma_start3A_513 = tpu.memref_slice %arg3[%add3A_509, %dma_start3A_512] : memref<401408x96xf32, #tpu.memory_space<hbm>> -> memref<112x96xf32, #tpu.memory_space<hbm>>
      tpu.enqueue_dma source(%dma_start3A_513 : memref<112x96xf32, #tpu.memory_space<hbm>>) target(%arg12 : memref<112x96xf32, #tpu.memory_space<vmem>>) target_semaphore(%arg17 : memref<!tpu.dma_semaphore, #tpu.memory_space<semaphore_mem>>)
    }
    %scan3A_165 = arith.constant 55 : i32
    %dma_wait3A = arith.constant 0 : i32
    %dma_wait3A_166 = tpu.memref_slice %arg2[%mul3A_2, %dma_wait3A] : memref<401408x96xf32, #tpu.memory_space<hbm>> -> memref<112x96xf32, #tpu.memory_space<hbm>>
    %dma_wait3A_167 = arith.constant 0 : i32
    %dma_wait3A_168 = tpu.memref_slice %arg2[%mul3A_2, %dma_wait3A_167] : memref<401408x96xf32, #tpu.memory_space<hbm>> -> memref<112x96xf32, #tpu.memory_space<hbm>>
    tpu.wait_dma2 semaphore(%arg14 : memref<!tpu.dma_semaphore, #tpu.memory_space<semaphore_mem>>) src(%dma_wait3A_168 : memref<112x96xf32, #tpu.memory_space<hbm>>) dst(%arg9 : memref<112x96xf32, #tpu.memory_space<vmem>>)
    %dma_wait3A_169 = arith.constant 0 : i32
    %dma_wait3A_170 = tpu.memref_slice %arg3[%mul3A_2, %dma_wait3A_169] : memref<401408x96xf32, #tpu.memory_space<hbm>> -> memref<112x96xf32, #tpu.memory_space<hbm>>
    %dma_wait3A_171 = arith.constant 0 : i32
    %dma_wait3A_172 = tpu.memref_slice %arg3[%mul3A_2, %dma_wait3A_171] : memref<401408x96xf32, #tpu.memory_space<hbm>> -> memref<112x96xf32, #tpu.memory_space<hbm>>
    tpu.wait_dma2 semaphore(%arg16 : memref<!tpu.dma_semaphore, #tpu.memory_space<semaphore_mem>>) src(%dma_wait3A_172 : memref<112x96xf32, #tpu.memory_space<hbm>>) dst(%arg11 : memref<112x96xf32, #tpu.memory_space<vmem>>)
    %add3A_173 = arith.constant 0 : i32
    %add3A_174 = vector.broadcast %add3A_173 : i32 to vector<16xi32>
    %add3A_175 = arith.addi %iota3A, %add3A_174 : vector<16xi32>
    %gather3A_176 = tpu.vector_load_idx %arg9[%add3A_175, %min3A_137] : memref<112x96xf32, #tpu.memory_space<vmem>>[vector<16xi32>, vector<16xi32>], vector<16xf32>,
    %gather3A_177 = tpu.vector_load_idx %arg11[%add3A_175, %min3A_137] : memref<112x96xf32, #tpu.memory_space<vmem>>[vector<16xi32>, vector<16xi32>], vector<16xf32>,
    %add3A_178 = arith.addf %gather3A_176, %gather3A_177 : vector<16xf32>
    %swap3A_179 = arith.constant 12320 : index
    %swap3A_180 = tpu.vector_load %arg13[%swap3A_179] {strides = array<i32>} : memref<12544xf32, #tpu.memory_space<vmem>>, vector<16xf32>,
    tpu.vector_store %arg13[%swap3A_179], %add3A_178 {strides = array<i32>} : memref<12544xf32, #tpu.memory_space<vmem>>, vector<16xf32>,
    %add3A_181 = arith.constant 16 : i32
    %add3A_182 = vector.broadcast %add3A_181 : i32 to vector<16xi32>
    %add3A_183 = arith.addi %iota3A, %add3A_182 : vector<16xi32>
    %gather3A_184 = tpu.vector_load_idx %arg9[%add3A_183, %min3A_137] : memref<112x96xf32, #tpu.memory_space<vmem>>[vector<16xi32>, vector<16xi32>], vector<16xf32>,
    %gather3A_185 = tpu.vector_load_idx %arg11[%add3A_183, %min3A_137] : memref<112x96xf32, #tpu.memory_space<vmem>>[vector<16xi32>, vector<16xi32>], vector<16xf32>,
    %add3A_186 = arith.addf %gather3A_184, %gather3A_185 : vector<16xf32>
    %swap3A_187 = arith.constant 12336 : index
    %swap3A_188 = tpu.vector_load %arg13[%swap3A_187] {strides = array<i32>} : memref<12544xf32, #tpu.memory_space<vmem>>, vector<16xf32>,
    tpu.vector_store %arg13[%swap3A_187], %add3A_186 {strides = array<i32>} : memref<12544xf32, #tpu.memory_space<vmem>>, vector<16xf32>,
    %add3A_189 = arith.constant 32 : i32
    %add3A_190 = vector.broadcast %add3A_189 : i32 to vector<16xi32>
    %add3A_191 = arith.addi %iota3A, %add3A_190 : vector<16xi32>
    %gather3A_192 = tpu.vector_load_idx %arg9[%add3A_191, %min3A_137] : memref<112x96xf32, #tpu.memory_space<vmem>>[vector<16xi32>, vector<16xi32>], vector<16xf32>,
    %gather3A_193 = tpu.vector_load_idx %arg11[%add3A_191, %min3A_137] : memref<112x96xf32, #tpu.memory_space<vmem>>[vector<16xi32>, vector<16xi32>], vector<16xf32>,
    %add3A_194 = arith.addf %gather3A_192, %gather3A_193 : vector<16xf32>
    %swap3A_195 = arith.constant 12352 : index
    %swap3A_196 = tpu.vector_load %arg13[%swap3A_195] {strides = array<i32>} : memref<12544xf32, #tpu.memory_space<vmem>>, vector<16xf32>,
    tpu.vector_store %arg13[%swap3A_195], %add3A_194 {strides = array<i32>} : memref<12544xf32, #tpu.memory_space<vmem>>, vector<16xf32>,
    %add3A_197 = arith.constant 48 : i32
    %add3A_198 = vector.broadcast %add3A_197 : i32 to vector<16xi32>
    %add3A_199 = arith.addi %iota3A, %add3A_198 : vector<16xi32>
    %gather3A_200 = tpu.vector_load_idx %arg9[%add3A_199, %min3A_137] : memref<112x96xf32, #tpu.memory_space<vmem>>[vector<16xi32>, vector<16xi32>], vector<16xf32>,
    %gather3A_201 = tpu.vector_load_idx %arg11[%add3A_199, %min3A_137] : memref<112x96xf32, #tpu.memory_space<vmem>>[vector<16xi32>, vector<16xi32>], vector<16xf32>,
    %add3A_202 = arith.addf %gather3A_200, %gather3A_201 : vector<16xf32>
    %swap3A_203 = arith.constant 12368 : index
    %swap3A_204 = tpu.vector_load %arg13[%swap3A_203] {strides = array<i32>} : memref<12544xf32, #tpu.memory_space<vmem>>, vector<16xf32>,
    tpu.vector_store %arg13[%swap3A_203], %add3A_202 {strides = array<i32>} : memref<12544xf32, #tpu.memory_space<vmem>>, vector<16xf32>,
    %add3A_205 = arith.constant 64 : i32
    %add3A_206 = vector.broadcast %add3A_205 : i32 to vector<16xi32>
    %add3A_207 = arith.addi %iota3A, %add3A_206 : vector<16xi32>
    %gather3A_208 = tpu.vector_load_idx %arg9[%add3A_207, %min3A_137] : memref<112x96xf32, #tpu.memory_space<vmem>>[vector<16xi32>, vector<16xi32>], vector<16xf32>,
    %gather3A_209 = tpu.vector_load_idx %arg11[%add3A_207, %min3A_137] : memref<112x96xf32, #tpu.memory_space<vmem>>[vector<16xi32>, vector<16xi32>], vector<16xf32>,
    %add3A_210 = arith.addf %gather3A_208, %gather3A_209 : vector<16xf32>
    %swap3A_211 = arith.constant 12384 : index
    %swap3A_212 = tpu.vector_load %arg13[%swap3A_211] {strides = array<i32>} : memref<12544xf32, #tpu.memory_space<vmem>>, vector<16xf32>,
    tpu.vector_store %arg13[%swap3A_211], %add3A_210 {strides = array<i32>} : memref<12544xf32, #tpu.memory_space<vmem>>, vector<16xf32>,
    %add3A_213 = arith.constant 80 : i32
    %add3A_214 = vector.broadcast %add3A_213 : i32 to vector<16xi32>
    %add3A_215 = arith.addi %iota3A, %add3A_214 : vector<16xi32>
    %gather3A_216 = tpu.vector_load_idx %arg9[%add3A_215, %min3A_137] : memref<112x96xf32, #tpu.memory_space<vmem>>[vector<16xi32>, vector<16xi32>], vector<16xf32>,
    %gather3A_217 = tpu.vector_load_idx %arg11[%add3A_215, %min3A_137] : memref<112x96xf32, #tpu.memory_space<vmem>>[vector<16xi32>, vector<16xi32>], vector<16xf32>,
    %add3A_218 = arith.addf %gather3A_216, %gather3A_217 : vector<16xf32>
    %swap3A_219 = arith.constant 12400 : index
    %swap3A_220 = tpu.vector_load %arg13[%swap3A_219] {strides = array<i32>} : memref<12544xf32, #tpu.memory_space<vmem>>, vector<16xf32>,
    tpu.vector_store %arg13[%swap3A_219], %add3A_218 {strides = array<i32>} : memref<12544xf32, #tpu.memory_space<vmem>>, vector<16xf32>,
    %add3A_221 = arith.constant 96 : i32
    %add3A_222 = vector.broadcast %add3A_221 : i32 to vector<16xi32>
    %add3A_223 = arith.addi %iota3A, %add3A_222 : vector<16xi32>
    %gather3A_224 = tpu.vector_load_idx %arg9[%add3A_223, %min3A_137] : memref<112x96xf32, #tpu.memory_space<vmem>>[vector<16xi32>, vector<16xi32>], vector<16xf32>,
    %gather3A_225 = tpu.vector_load_idx %arg11[%add3A_223, %min3A_137] : memref<112x96xf32, #tpu.memory_space<vmem>>[vector<16xi32>, vector<16xi32>], vector<16xf32>,
    %add3A_226 = arith.addf %gather3A_224, %gather3A_225 : vector<16xf32>
    %swap3A_227 = arith.constant 12416 : index
    %swap3A_228 = tpu.vector_load %arg13[%swap3A_227] {strides = array<i32>} : memref<12544xf32, #tpu.memory_space<vmem>>, vector<16xf32>,
    tpu.vector_store %arg13[%swap3A_227], %add3A_226 {strides = array<i32>} : memref<12544xf32, #tpu.memory_space<vmem>>, vector<16xf32>,
    %dma_wait3A_229 = arith.constant 0 : i32
    %dma_wait3A_230 = tpu.memref_slice %arg2[%mul3A_2, %dma_wait3A_229] : memref<401408x96xf32, #tpu.memory_space<hbm>> -> memref<112x96xf32, #tpu.memory_space<hbm>>
    %dma_wait3A_231 = arith.constant 0 : i32
    %dma_wait3A_232 = tpu.memref_slice %arg2[%mul3A_2, %dma_wait3A_231] : memref<401408x96xf32, #tpu.memory_space<hbm>> -> memref<112x96xf32, #tpu.memory_space<hbm>>
    tpu.wait_dma2 semaphore(%arg15 : memref<!tpu.dma_semaphore, #tpu.memory_space<semaphore_mem>>) src(%dma_wait3A_232 : memref<112x96xf32, #tpu.memory_space<hbm>>) dst(%arg10 : memref<112x96xf32, #tpu.memory_space<vmem>>)
    %dma_wait3A_233 = arith.constant 0 : i32
    %dma_wait3A_234 = tpu.memref_slice %arg3[%mul3A_2, %dma_wait3A_233] : memref<401408x96xf32, #tpu.memory_space<hbm>> -> memref<112x96xf32, #tpu.memory_space<hbm>>
    %dma_wait3A_235 = arith.constant 0 : i32
    %dma_wait3A_236 = tpu.memref_slice %arg3[%mul3A_2, %dma_wait3A_235] : memref<401408x96xf32, #tpu.memory_space<hbm>> -> memref<112x96xf32, #tpu.memory_space<hbm>>
    tpu.wait_dma2 semaphore(%arg17 : memref<!tpu.dma_semaphore, #tpu.memory_space<semaphore_mem>>) src(%dma_wait3A_236 : memref<112x96xf32, #tpu.memory_space<hbm>>) dst(%arg12 : memref<112x96xf32, #tpu.memory_space<vmem>>)
    %add3A_237 = arith.constant 0 : i32
    %add3A_238 = vector.broadcast %add3A_237 : i32 to vector<16xi32>
    %add3A_239 = arith.addi %iota3A, %add3A_238 : vector<16xi32>
    %gather3A_240 = tpu.vector_load_idx %arg10[%add3A_239, %min3A_137] : memref<112x96xf32, #tpu.memory_space<vmem>>[vector<16xi32>, vector<16xi32>], vector<16xf32>,
    %gather3A_241 = tpu.vector_load_idx %arg12[%add3A_239, %min3A_137] : memref<112x96xf32, #tpu.memory_space<vmem>>[vector<16xi32>, vector<16xi32>], vector<16xf32>,
    %add3A_242 = arith.addf %gather3A_240, %gather3A_241 : vector<16xf32>
    %swap3A_243 = arith.constant 12432 : index
    %swap3A_244 = tpu.vector_load %arg13[%swap3A_243] {strides = array<i32>} : memref<12544xf32, #tpu.memory_space<vmem>>, vector<16xf32>,
    tpu.vector_store %arg13[%swap3A_243], %add3A_242 {strides = array<i32>} : memref<12544xf32, #tpu.memory_space<vmem>>, vector<16xf32>,
    %add3A_245 = arith.constant 16 : i32
    %add3A_246 = vector.broadcast %add3A_245 : i32 to vector<16xi32>
    %add3A_247 = arith.addi %iota3A, %add3A_246 : vector<16xi32>
    %gather3A_248 = tpu.vector_load_idx %arg10[%add3A_247, %min3A_137] : memref<112x96xf32, #tpu.memory_space<vmem>>[vector<16xi32>, vector<16xi32>], vector<16xf32>,
    %gather3A_249 = tpu.vector_load_idx %arg12[%add3A_247, %min3A_137] : memref<112x96xf32, #tpu.memory_space<vmem>>[vector<16xi32>, vector<16xi32>], vector<16xf32>,
    %add3A_250 = arith.addf %gather3A_248, %gather3A_249 : vector<16xf32>
    %swap3A_251 = arith.constant 12448 : index
    %swap3A_252 = tpu.vector_load %arg13[%swap3A_251] {strides = array<i32>} : memref<12544xf32, #tpu.memory_space<vmem>>, vector<16xf32>,
    tpu.vector_store %arg13[%swap3A_251], %add3A_250 {strides = array<i32>} : memref<12544xf32, #tpu.memory_space<vmem>>, vector<16xf32>,
    %add3A_253 = arith.constant 32 : i32
    %add3A_254 = vector.broadcast %add3A_253 : i32 to vector<16xi32>
    %add3A_255 = arith.addi %iota3A, %add3A_254 : vector<16xi32>
    %gather3A_256 = tpu.vector_load_idx %arg10[%add3A_255, %min3A_137] : memref<112x96xf32, #tpu.memory_space<vmem>>[vector<16xi32>, vector<16xi32>], vector<16xf32>,
    %gather3A_257 = tpu.vector_load_idx %arg12[%add3A_255, %min3A_137] : memref<112x96xf32, #tpu.memory_space<vmem>>[vector<16xi32>, vector<16xi32>], vector<16xf32>,
    %add3A_258 = arith.addf %gather3A_256, %gather3A_257 : vector<16xf32>
    %swap3A_259 = arith.constant 12464 : index
    %swap3A_260 = tpu.vector_load %arg13[%swap3A_259] {strides = array<i32>} : memref<12544xf32, #tpu.memory_space<vmem>>, vector<16xf32>,
    tpu.vector_store %arg13[%swap3A_259], %add3A_258 {strides = array<i32>} : memref<12544xf32, #tpu.memory_space<vmem>>, vector<16xf32>,
    %add3A_261 = arith.constant 48 : i32
    %add3A_262 = vector.broadcast %add3A_261 : i32 to vector<16xi32>
    %add3A_263 = arith.addi %iota3A, %add3A_262 : vector<16xi32>
    %gather3A_264 = tpu.vector_load_idx %arg10[%add3A_263, %min3A_137] : memref<112x96xf32, #tpu.memory_space<vmem>>[vector<16xi32>, vector<16xi32>], vector<16xf32>,
    %gather3A_265 = tpu.vector_load_idx %arg12[%add3A_263, %min3A_137] : memref<112x96xf32, #tpu.memory_space<vmem>>[vector<16xi32>, vector<16xi32>], vector<16xf32>,
    %add3A_266 = arith.addf %gather3A_264, %gather3A_265 : vector<16xf32>
    %swap3A_267 = arith.constant 12480 : index
    %swap3A_268 = tpu.vector_load %arg13[%swap3A_267] {strides = array<i32>} : memref<12544xf32, #tpu.memory_space<vmem>>, vector<16xf32>,
    tpu.vector_store %arg13[%swap3A_267], %add3A_266 {strides = array<i32>} : memref<12544xf32, #tpu.memory_space<vmem>>, vector<16xf32>,
    %add3A_269 = arith.constant 64 : i32
    %add3A_270 = vector.broadcast %add3A_269 : i32 to vector<16xi32>
    %add3A_271 = arith.addi %iota3A, %add3A_270 : vector<16xi32>
    %gather3A_272 = tpu.vector_load_idx %arg10[%add3A_271, %min3A_137] : memref<112x96xf32, #tpu.memory_space<vmem>>[vector<16xi32>, vector<16xi32>], vector<16xf32>,
    %gather3A_273 = tpu.vector_load_idx %arg12[%add3A_271, %min3A_137] : memref<112x96xf32, #tpu.memory_space<vmem>>[vector<16xi32>, vector<16xi32>], vector<16xf32>,
    %add3A_274 = arith.addf %gather3A_272, %gather3A_273 : vector<16xf32>
    %swap3A_275 = arith.constant 12496 : index
    %swap3A_276 = tpu.vector_load %arg13[%swap3A_275] {strides = array<i32>} : memref<12544xf32, #tpu.memory_space<vmem>>, vector<16xf32>,
    tpu.vector_store %arg13[%swap3A_275], %add3A_274 {strides = array<i32>} : memref<12544xf32, #tpu.memory_space<vmem>>, vector<16xf32>,
    %add3A_277 = arith.constant 80 : i32
    %add3A_278 = vector.broadcast %add3A_277 : i32 to vector<16xi32>
    %add3A_279 = arith.addi %iota3A, %add3A_278 : vector<16xi32>
    %gather3A_280 = tpu.vector_load_idx %arg10[%add3A_279, %min3A_137] : memref<112x96xf32, #tpu.memory_space<vmem>>[vector<16xi32>, vector<16xi32>], vector<16xf32>,
    %gather3A_281 = tpu.vector_load_idx %arg12[%add3A_279, %min3A_137] : memref<112x96xf32, #tpu.memory_space<vmem>>[vector<16xi32>, vector<16xi32>], vector<16xf32>,
    %add3A_282 = arith.addf %gather3A_280, %gather3A_281 : vector<16xf32>
    %swap3A_283 = arith.constant 12512 : index
    %swap3A_284 = tpu.vector_load %arg13[%swap3A_283] {strides = array<i32>} : memref<12544xf32, #tpu.memory_space<vmem>>, vector<16xf32>,
    tpu.vector_store %arg13[%swap3A_283], %add3A_282 {strides = array<i32>} : memref<12544xf32, #tpu.memory_space<vmem>>, vector<16xf32>,
    %add3A_285 = arith.constant 96 : i32
    %add3A_286 = vector.broadcast %add3A_285 : i32 to vector<16xi32>
    %add3A_287 = arith.addi %iota3A, %add3A_286 : vector<16xi32>
    %gather3A_288 = tpu.vector_load_idx %arg10[%add3A_287, %min3A_137] : memref<112x96xf32, #tpu.memory_space<vmem>>[vector<16xi32>, vector<16xi32>], vector<16xf32>,
    %gather3A_289 = tpu.vector_load_idx %arg12[%add3A_287, %min3A_137] : memref<112x96xf32, #tpu.memory_space<vmem>>[vector<16xi32>, vector<16xi32>], vector<16xf32>,
    %add3A_290 = arith.addf %gather3A_288, %gather3A_289 : vector<16xf32>
    %swap3A_291 = arith.constant 12528 : index
    %swap3A_292 = tpu.vector_load %arg13[%swap3A_291] {strides = array<i32>} : memref<12544xf32, #tpu.memory_space<vmem>>, vector<16xf32>,
    tpu.vector_store %arg13[%swap3A_291], %add3A_290 {strides = array<i32>} : memref<12544xf32, #tpu.memory_space<vmem>>, vector<16xf32>,
    "tpu.region"() ({
      %run_scoped3A = tpu.sem_alloc : memref<!tpu.dma_semaphore, #tpu.memory_space<semaphore_mem>>
      %dma_start3A_293 = tpu.memref_slice %arg5[%mul3A_2] : memref<401408xf32, #tpu.memory_space<hbm>> -> memref<12544xf32, #tpu.memory_space<hbm>>
      %dma_start3A_294 = tpu.memref_slice %arg5[%mul3A_2] : memref<401408xf32, #tpu.memory_space<hbm>> -> memref<12544xf32, #tpu.memory_space<hbm>>
      tpu.enqueue_dma source(%arg13 : memref<12544xf32, #tpu.memory_space<vmem>>) target(%dma_start3A_294 : memref<12544xf32, #tpu.memory_space<hbm>>) target_semaphore(%run_scoped3A : memref<!tpu.dma_semaphore, #tpu.memory_space<semaphore_mem>>)
      %dma_wait3A_295 = tpu.memref_slice %arg5[%mul3A_2] : memref<401408xf32, #tpu.memory_space<hbm>> -> memref<12544xf32, #tpu.memory_space<hbm>>
      %dma_wait3A_296 = tpu.memref_slice %arg5[%mul3A_2] : memref<401408xf32, #tpu.memory_space<hbm>> -> memref<12544xf32, #tpu.memory_space<hbm>>
      tpu.wait_dma2 semaphore(%run_scoped3A : memref<!tpu.dma_semaphore, #tpu.memory_space<semaphore_mem>>) src(%arg13 : memref<12544xf32, #tpu.memory_space<vmem>>) dst(%dma_wait3A_296 : memref<12544xf32, #tpu.memory_space<hbm>>)
      tpu.yield
    }) : () -> ()
    return
  }
}

</mosaic_0001>

<sc_bundles>
// kernel: kernel.3.cloned.1.call-start
scs
__scs_entry_jumppad:
0x0: {  	(pc) =	sbr.rel $0x88, $3  }
0x1: {  	(tag) =	ssettag $0x0;
	lr =	simm.s32 $0x1  }
0x2: {  	[smem:$0x3F9E] =	sst lr;
	_ =	strace $0xD0000000  }
0x3: {  	_ = 	snop  }
0x4: {  	_ = 	snop  }
0x5: {  	_ = 	snop  }
0x6: {  	_ = 	snop  }
0x7: {  	_ = 	snop  }
__scs_overlays_trampoline_lowered:
0x8: {  	[smem:$0x3FAD] =	sst s0  }
0x9: {  	[smem:$0x3FAE] =	sst s1  }
0xa: {  	[smem:$0x3FAF] =	sst s2  }
0xb: {  	[smem:$0x3FB0] =	sst s3  }
0xc: {  	[smem:$0x3FB1] =	sst s4  }
0xd: {  	[smem:$0x3FB2] =	sst s5  }
0xe: {  	[smem:$0x3FB3] =	sst s6  }
0xf: {  	[smem:$0x3FB4] =	sst s7  }
0x10: {  	[smem:$0x3FB5] =	sst s8  }
0x11: {  	[smem:$0x3FB6] =	sst s9;
	s0 =	simm.s32 @!p0 $0x0  }
0x12: {  	s1 =	sld [smem:$0x3F9C];
	s0 =	simm.s32 @p0 $0x1  }
0x13: {  	[smem:$0x3FB7] =	sst s0;
	s0 =	simm.s32 @!p1 $0x0  }
0x14: {  	s2 =	sld [smem:$0x3F9B];
	s0 =	simm.s32 @p1 $0x1  }
0x15: {  	[smem:$0x3FB8] =	sst s0;
	s0 =	simm.s32 @!p2 $0x0  }
0x16: {  	s3 =	sld [smem:$0x3FDB];
	s0 =	simm.s32 @p2 $0x1  }
0x17: {  	s4 =	simm.s32 $0x1BF5;
	[smem:$0x3FBA] =	sst s0  }
0x18: {  	s0 =	sld [smem:$0x3F9D];
	_ =	swait.ge [sflag:s4], $0x0  }
0x19: {  	s7 =	sld [smem:$0x3F9E]  }
0x1a: {  	s8 =	sadd.s32 $0xFFFFE003, lr  }
0x1b: {  	s9 =	sadd.s32 $0xFFFFFEF7, lr;
	s5 =	simm.s32 $0xFFFFFFFF;
	p2 =	slt.u32 s8, $0xFFFFF086  }
0x1c: {  	p1 =	slt.u32 s9, $0xF7A;
	s5 =	simm.s32 @!p2 $0x0  }
0x1d: {  	s5 =	simm.s32 @p1 $0x1;
	p0 =	seq.s32 s7, s2  }
0x1e: {  	s7 =	smul.u32 @!p0 $0xF7A, s2;
	p2 =	seq.s32 @!p0 s5, $0x0  }
0x1f: {  	s9 =	smul.u32 $0xF7A, s1;
	s8 =	simm.s32 @!p0 $0x1BF5;
	p2 =	por !p2, p0  }
0x20: {  	[sflag:s8] =	ssyncset.s32 @!p0 $0xFFFFF086;
	s6 =	sadd.s32 @!p0 s3, s7;
	s7 =	simm.s32 @!p0 $0x108  }
0x21: {  	s3 =	sadd.s32 s3, s9;
	s6 =	sadd.s32 @!p0 $0x88, s6;
	s7 =	simm.s32 @p2 $0x1082  }
0x22: {  	[simem:s7], [sflag:s8] =	dma.local @!p0 [hbm:s6], $0xF7A  }
0x23: {  	s9 =	sor.u32 $0xD0000000, s2;
	s6 =	simm.s32 $0x108;
	_ =	swait.ge @!p0 [sflag:s8], $0x0  }
0x24: {  	s3 =	sadd.s32 $0x88, s3;
	s6 =	simm.s32 @!p1 $0x1082;
	[sflag:s4] =	ssyncset.s32 $0xFFFFF086  }
0x25: {  	[simem:s6], [sflag:s4] =	dma.local [hbm:s3], $0xF7A  }
0x26: {  	[smem:$0x3F9E] =	sst s1;
	(tag) =	ssettag s2;
	_ =	strace s9  }
0x27: {  	s1 =	sld [smem:$0x3FAE]  }
0x28: {  	s2 =	sld [smem:$0x3FAF]  }
0x29: {  	s4 =	sld [smem:$0x3FB1]  }
0x2a: {  	p0 =	seq.s32 s5, $0x0;
	s5 =	sld [smem:$0x3FB2]  }
0x2b: {  	s6 =	sld [smem:$0x3FB3]  }
0x2c: {  	s7 =	sld [smem:$0x3FB4]  }
0x2d: {  	s3 =	simm.s32 $0x108;
	s8 =	sld [smem:$0x3FB5]  }
0x2e: {  	s3 =	simm.s32 @!p0 $0x1082;
	s9 =	sld [smem:$0x3FB6]  }
0x2f: {  	lr =	sadd.s32 s0, s3;
	s0 =	sld [smem:$0x3FAD]  }
0x30: {  	s3 =	sld [smem:$0x3FB0]  }
0x31: {  	[smem:$0x3FB9] =	sst s10  }
0x32: {  	s10 =	sld [smem:$0x3FB7];
	_ =	sdelay $0x3  }
0x33: {  	p0 =	seq.s32 s10, $0x1;
	s10 =	sld [smem:$0x3FB9];
	_ =	sdelay $0x3  }
0x34: {  	[smem:$0x3FB9] =	sst s10  }
0x35: {  	s10 =	sld [smem:$0x3FB8];
	_ =	sdelay $0x3  }
0x36: {  	p1 =	seq.s32 s10, $0x1;
	s10 =	sld [smem:$0x3FB9];
	_ =	sdelay $0x3  }
0x37: {  	[smem:$0x3FB9] =	sst s10  }
0x38: {  	s10 =	sld [smem:$0x3FBA]  }
0x39: {  	_ = 	snop;
	(pc) =	sbr.ind lr, $3  }
0x3a: {  	_ = 	snop  }
0x3b: {  	_ = 	snop  }
0x3c: {  	p2 =	seq.s32 s10, $0x1;
	s10 =	sld [smem:$0x3FB9]  }
0x3d: {  	_ =	shalt  }
0x3e: {  	_ =	shalt  }
0x3f: {  	_ =	shalt  }
0x40: {  	_ =	shalt  }
0x41: {  	_ =	shalt  }
0x42: {  	_ =	shalt  }
0x43: {  	_ =	shalt  }
0x44: {  	_ =	shalt  }
0x45: {  	_ =	shalt  }
0x46: {  	_ =	shalt  }
0x47: {  	_ =	shalt  }
0x48: {  	_ =	shalt  }
0x49: {  	_ =	shalt  }
0x4a: {  	_ =	shalt  }
0x4b: {  	_ =	shalt  }
0x4c: {  	_ =	shalt  }
0x4d: {  	_ =	shalt  }
0x4e: {  	_ =	shalt  }
0x4f: {  	_ =	shalt  }
0x50: {  	_ =	shalt  }
0x51: {  	_ =	shalt  }
0x52: {  	_ =	shalt  }
0x53: {  	_ =	shalt  }
0x54: {  	_ =	shalt  }
0x55: {  	_ =	shalt  }
0x56: {  	_ =	shalt  }
0x57: {  	_ =	shalt  }
0x58: {  	_ =	shalt  }
0x59: {  	_ =	shalt  }
0x5a: {  	_ =	shalt  }
0x5b: {  	_ =	shalt  }
0x5c: {  	_ =	shalt  }
0x5d: {  	_ =	shalt  }
0x5e: {  	_ =	shalt  }
0x5f: {  	_ =	shalt  }
0x60: {  	_ =	shalt  }
0x61: {  	_ =	shalt  }
0x62: {  	_ =	shalt  }
0x63: {  	_ =	shalt  }
0x64: {  	_ =	shalt  }
0x65: {  	_ =	shalt  }
0x66: {  	_ =	shalt  }
0x67: {  	_ =	shalt  }
0x68: {  	_ =	shalt  }
0x69: {  	_ =	shalt  }
0x6a: {  	_ =	shalt  }
0x6b: {  	_ =	shalt  }
0x6c: {  	_ =	shalt  }
0x6d: {  	_ =	shalt  }
0x6e: {  	_ =	shalt  }
0x6f: {  	_ =	shalt  }
0x70: {  	_ =	shalt  }
0x71: {  	_ =	shalt  }
0x72: {  	_ =	shalt  }
0x73: {  	_ =	shalt  }
0x74: {  	_ =	shalt  }
0x75: {  	_ =	shalt  }
0x76: {  	_ =	shalt  }
0x77: {  	_ =	shalt  }
0x78: {  	_ =	shalt  }
0x79: {  	_ =	shalt  }
0x7a: {  	_ =	shalt  }
0x7b: {  	_ =	shalt  }
0x7c: {  	_ =	shalt  }
0x7d: {  	_ =	shalt  }
0x7e: {  	_ =	shalt  }
0x7f: {  	_ =	shalt  }
0x80: {  	_ =	shalt  }
0x81: {  	_ =	shalt  }
0x82: {  	_ =	shalt  }
0x83: {  	_ =	shalt  }
0x84: {  	_ =	shalt  }
0x85: {  	_ =	shalt  }
0x86: {  	_ =	shalt  }
0x87: {  	_ =	shalt  }
.Lfunc_end0:
.L_simem_size_0:
called_computation_lowered:
.L_overlay_start_0:
0x88: {  	s2 =	sld [smem:$0x3FD9]  }
0x89: {  	s3 =	sld [smem:$0x3FFE];
	_ =	sdelay $0x1  }
0x8a: {  	s1 =	srdreg.scid  }
0x8b: {  	s0 =	sand.u32 $0x1, s1  }
0x8c: {  	s17 =	sshll.u32 s0, $0xA;
	s2 =	sadd.s32 s3, s2  }
0x8d: {  	s2 =	sadd.s32 s2, s17  }
0x8e: {  	[smem:$0x3FC5] =	sst s2  }
0x8f: {  	_ = 	snop  }
0x90: {  	s2 =	sld [smem:$0x3FC7];
	(tm) =	ssettm $0x1  }
0x91: {  	s18 =	sld [smem:$0x3FFB];
	_ =	sdelay $0x3  }
0x92: {  	_ =	strace s18  }
0x93: {  	s3 =	sld [smem:$0x3FFC];
	_ =	sdelay $0x3  }
0x94: {  	_ =	strace s3  }
0x95: {  	s3 =	sld [smem:$0x3FFD];
	_ =	sdelay $0x3  }
0x96: {  	_ =	strace s3  }
0x97: {  	_ =	strace $0x8FFFFFFF  }
0x98: {  	s19 =	sld [smem:$0x3FDB];
	_ =	sdelay $0x1  }
0x99: {  	s4 =	simm.s32 $_scs_section_size  }
0x9a: {  	s5 =	simm.s32 $_size__tile_overlayer_lowered;
	s6 =	simm.s32 $_tile_overlayer_lowered  }
0x9b: {  	s22 =	simm.s32 $0x1BFF;
	s21 =	sshll.u32 s6, $0x1;
	s3 =	sadd.s32 s4, s19  }
0x9c: {  	s7 =	simm.s32 $0x0;
	s20 =	sshll.u32 s5, $0x1;
	s5 =	sadd.s32 s21, s3  }
0x9d: {  	[timem:s7], [sflag:s22] =	dma.local [hbm:s5], s20  }
0x9e: {  	_ =	swait.ge [sflag:s22], s20  }
0x9f: {  	s4 =	ssub.s32 $0x0, s20;
	[sflag:s22] =	ssyncset.done $0x0  }
0xa0: {  	[sflag:s22] =	ssyncadd.s32 s4;
	_ =	sdelay $0x1  }
0xa1: {  	s23 =	simm.s32 $0x1B8B  }
0xa2: {  	_ =	swait.ge [sflag:s23], $0x1  }
0xa3: {  	[sflag:s23] =	ssyncset.done $0x0  }
0xa4: {  	s25 =	simm.s32 $0x1B8E;
	s24 =	sld [smem:$0x3FFE];
	[sflag:s23] =	ssyncadd.s32 $0xFFFFFFFF  }
0xa5: {  	s26 =	simm.s32 $execute0_lowered;
	[smem:$0x3FD2] =	sst s25  }
0xa6: {  	s5 =	sshll.u32 s26, $0x1;
	_ =	strace $0x80000046;
	[dreg:$0x1] =	wrdreg $0xFFFFFFFF  }
0xa7: {  	s28 =	simm.s32 $_size_execute0_lowered;
	s3 =	sadd.s32 s3, s5;
	[dreg:$0x0] =	wrdreg $0x0  }
0xa8: {  	s5 =	sshll.u32 s28, $0x1;
	[dreg:$0x2] =	wrdreg s3  }
0xa9: {  	[dreg:$0x3] =	wrdreg s5  }
0xaa: {  	[dreg:$0x4] =	wrdreg $0xC0  }
0xab: {  	_ =	task [dreg:s7], $0x5FFFF  }
0xac: {  	[dreg:$0x1] =	wrdreg $0xFFFFFFFF  }
0xad: {  	[dreg:$0x0] =	wrdreg $0x60  }
0xae: {  	[dreg:$0x2] =	wrdreg s24  }
0xaf: {  	[dreg:$0x3] =	wrdreg s2  }
0xb0: {  	[dreg:$0x4] =	wrdreg $0x9  }
0xb1: {  	_ =	task.clear_ibuf [dreg:s7], $0x5FFFF;
	_ =	strace $0x90000046  }
0xb2: {  	s29 =	simm.s32 $0x9;
	_ =	strace $0x80000048  }
0xb3: {  	_ =	swait.ge [sflag:s29], $0x1  }
0xb4: {  	[sflag:s29] =	ssyncadd.s32 $0xFFFFFFFF  }
0xb5: {  	_ =	strace $0x90000048  }
0xb6: {  	_ =	sfence  }
0xb7: {  	s30 =	sld [smem:$0x0];
	_ =	sdelay $0x2  }
0xb8: {  	s31 =	sshll.u32 s1, $0xD;
	s1 =	sshrl.u32 s1, $0x2  }
0xb9: {  	s3 =	sand.u32 $0x4000, s31;
	s1 =	sadd.s32 s1, s30  }
0xba: {  	s0 =	sor.u32 s3, s0;
	s1 =	sshll.u32 s1, $0x11  }
0xbb: {  	s0 =	sor.u32 s1, s0  }
0xbc: {  	s0 =	sadd.s32 $0x8F2B, s0  }
0xbd: {  	[sflag:s0] =	ssyncadd.remote.s32 $0x1  }
0xbe: {  	_ =	sfence.sel $0xFFFF  }
0xbf: {  	[dreg:$0x0] =	wrdreg $0xFFFFFFFF;
	(pc) =	sbr.abs _section_cstart, $3  }
0xc0: {  	[dreg:$0x1] =	wrdreg $0xFFFFFFFF  }
0xc1: {  	_ =	task.clear_ibuf [dreg:s7], $0x2FFFF;
	_ =	strace $0x9FFFFFFF  }
0xc2: {  	(tm) =	ssettm $0x7FFFFFFF  }
0xc3: {  	_ =	shalt  }
tec
execute0_lowered:
.L_overlay_start_1:
0x0: {  	(tag) =	ssettag $0x1  }
0x1: {  	s1 =	srdreg.scid;
	v0 =	vimm.s32 $0xFEDCBA98;
	v1 =	vimm.s32 $0x76543210  }
0x2: {  	s0 =	stileid.u32;
	s2 =	rddreg [dreg:$0x0];
	v2 =	vimm.s32 $0xBA98FEDC;
	v3 =	vimm.s32 $0x32107654;
	v4 =	vimm.s32 $0xDCFE98BA  }
0x3: {  	s4 =	rddreg [dreg:$0x1];
	v5 =	vimm.s32 $0x54761032;
	v6 =	vimm.s32 $0xEFCDAB89;
	s14 =	simm.s32 $0x100;
	s15 =	simm.s32 $0x180  }
0x4: {  	v7 =	vimm.s32 $0x67452301;
	s16 =	simm.s32 $0x7180;
	s17 =	simm.s32 $0x3980;
	s18 =	simm.s32 $0xA980  }
0x5: {  	s19 =	simm.s32 $0x1;
	s20 =	simm.s32 $0x3;
	s21 =	simm.s32 $0x2;
	v0 =	vunpack.c.l.s4.s8 v0;
	v1 =	vunpack.c.l.s4.s8 v1;
	v2 =	vunpack.c.l.s4.s8 v2  }
0x6: {  	s22 =	simm.s32 $0x4;
	s23 =	simm.s32 $0xE180;
	s24 =	simm.s32 $0x0;
	v3 =	vunpack.c.l.s4.s8 v3;
	v4 =	vunpack.c.l.s4.s8 v4;
	v5 =	vunpack.c.l.s4.s8 v5  }
0x7: {  	s9 =	sand.u32 $0x1, s1;
	s3 =	sshll.u32 s0, $0x1;
	s1 =	simm.s32 $0x0;
	v6 =	vunpack.c.l.s4.s8 v6;
	v7 =	vunpack.c.l.s4.s8 v7;
	v0 =	vunpack.c.0.s8.s32 v0  }
0x8: {  	s10 =	sadd.s32 $0x400, s2;
	s11 =	sadd.s32 $0x620400, s2;
	s30 =	smul.u32 $0x62000, s0;
	v2 =	vunpack.c.0.s8.s32 v2;
	v3 =	vunpack.c.0.s8.s32 v3;
	v4 =	vunpack.c.0.s8.s32 v4  }
0x9: {  	s8 =	sshll.u32 s0, $0x3;
	s3 =	sor.u32 s9, s3;
	s31 =	smul.u32 $0x31000, s9;
	v5 =	vunpack.c.0.s8.s32 v5;
	v6 =	vunpack.c.0.s8.s32 v6;
	v7 =	vunpack.c.0.s8.s32 v7  }
0xa: {  	[smem:$0x7FF] =	sst s1;
	s6 =	ssub.s32 $0x2, s9;
	s5 =	smul.u32 $0x3100, s3;
	v1 =	vunpack.c.0.s8.s32 v1;
	v2 =	vcombine.low v3, v2  }
0xb: {  	s28 =	sand.u32 $0x70, s8;
	s7 =	sshrl.u32 s6, $0x1;
	s12 =	smul.u32 $0x31000, s3;
	v0 =	vand.u32 $0xF, v0;
	v3 =	vcombine.low v5, v4;
	v4 =	vcombine.low v7, v6  }
0xc: {  	_ =	strace $0x80000047;
	s3 =	sadd.s32 s4, s28;
	s13 =	ssub.s32 s6, s7;
	v0 =	vcombine.low v0, v1;
	v1 =	vand.u32 $0xF, v2  }
0xd: {  	s5 =	sshrl.u32 s5, $0x3;
	s4 =	sadd.s32 s10, s12;
	s29 =	sor.u32 $0x700, s12;
	v2 =	vand.u32 $0xF, v3;
	v3 =	vand.u32 $0xF, v4;
	v4 =	vlaneseq.u32  }
0xe: {  	s9 =	smax.u32 s13, $0x1;
	s13 =	simm.s32 $0x80;
	s2 =	sadd.s32 s5, s2;
	v5 =	vor.u32 $0x50, v4;
	v6 =	vor.u32 $0x40, v4;
	v7 =	vmul.u32 $0x80, v4  }
0xf: {  	s5 =	sadd.s32 s11, s12;
	s6 =	sadd.s32 s10, s29;
	s7 =	sadd.s32 s11, s29;
	v8 =	vor.u32 $0x30, v4;
	v9 =	vor.u32 $0x20, v4;
	v10 =	vor.u32 $0x10, v4  }
0x10: {  	s10 =	sadd.s32 s30, s10;
	s11 =	sadd.s32 s30, s11;
	s12 =	simm.s32 $0x5;
	v11 =	vor.u32 $0x800, v7;
	v12 =	vor.u32 $0x1000, v7;
	v13 =	vor.u32 $0x1800, v7  }
0x11: {  	s8 =	sadd.s32 $0xC40400, s2;
	s10 =	sadd.s32 s31, s10;
	s11 =	sadd.s32 s31, s11;
	v14 =	vor.u32 $0x2000, v7;
	v15 =	vor.u32 $0x2800, v7;
	v16 =	vor.u32 $0x3000, v7  }
.LBB2_1:
0x12: {  	[tilespmem:s1], [sflag:$0x5] =	stream.linear.gather [hbm4b:s3+s1], $0x80, $0x38;
	[tilespmem:$0x11280] =	vst v63  }
0x13: {  	_ =	swait.ge [sflag:s12], $0x80  }
0x14: {  	[sflag:s12] =	ssyncset.done $0x0  }
0x15: {  	[sflag:s12] =	ssyncadd.s32 $0xFFFFFF80  }
0x16: {  	v17 =	vld [tilespmem:$0x0]  }
0x17: {  	v18 =	vld [tilespmem:$0x10]  }
0x18: {  	v19 =	vld [tilespmem:$0x20]  }
0x19: {  	v20 =	vld [tilespmem:$0x30]  }
0x1a: {  	v21 =	vld [tilespmem:$0x40]  }
0x1b: {  	v22 =	vld [tilespmem:$0x50]  }
0x1c: {  	v23 =	vmax.f32 v17, v18  }
0x1d: {  	v23 =	vmax.f32 v23, v19  }
0x1e: {  	v23 =	vmax.f32 v23, v20  }
0x1f: {  	v23 =	vmax.f32 v23, v21  }
0x20: {  	v23 =	vmax.f32 v23, v22  }
0x21: {  	[tilespmem:$0x80] =	vst v23  }
0x22: {  	v24 =	vld.idx.msk [tilespmem:v0+s13+$0x0], $0xffff;
	_ =	sdelay $0x4  }
0x23: {  	v23 =	vmax.f32 v23, v24  }
0x24: {  	[tilespmem:$0x80] =	vst v23  }
0x25: {  	v24 =	vld.idx.msk [tilespmem:v1+s13+$0x0], $0xffff;
	_ =	sdelay $0x4  }
0x26: {  	v23 =	vmax.f32 v23, v24  }
0x27: {  	[tilespmem:$0x80] =	vst v23  }
0x28: {  	v24 =	vld.idx.msk [tilespmem:v2+s13+$0x0], $0xffff;
	_ =	sdelay $0x4  }
0x29: {  	v23 =	vmax.f32 v23, v24  }
0x2a: {  	[tilespmem:$0x80] =	vst v23  }
0x2b: {  	v24 =	vld.idx.msk [tilespmem:v3+s13+$0x0], $0xffff;
	_ =	sdelay $0x4  }
0x2c: {  	v23 =	vmax.f32 v23, v24  }
0x2d: {  	vm0 =	veq.f32 v22, v23  }
0x2e: {  	vm1 =	veq.f32 v21, v23;
	v21 =	vnsel vm0, $0x60, v5  }
0x2f: {  	vm11 =	veq.f32 v20, v23;
	v20 =	vsel vm1, v6, v21  }
0x30: {  	vm12 =	veq.f32 v19, v23;
	v19 =	vsel vm11, v8, v20  }
0x31: {  	vm13 =	veq.f32 v18, v23;
	v18 =	vsel vm12, v9, v19  }
0x32: {  	vm14 =	veq.f32 v17, v23;
	v17 =	vsel vm13, v10, v18  }
0x33: {  	v17 =	vsel vm14, v4, v17  }
0x34: {  	[tilespmem:$0x100] =	vst v17  }
0x35: {  	v18 =	vld.idx.msk [tilespmem:v0+s14+$0x0], $0xffff;
	_ =	sdelay $0x4  }
0x36: {  	vm15 =	vlt.s32 v17, v18  }
0x37: {  	v17 =	vsel vm15, v17, v18  }
0x38: {  	[tilespmem:$0x100] =	vst v17  }
0x39: {  	v18 =	vld.idx.msk [tilespmem:v1+s14+$0x0], $0xffff;
	_ =	sdelay $0x4  }
0x3a: {  	vm0 =	vlt.s32 v17, v18  }
0x3b: {  	v17 =	vsel vm0, v17, v18  }
0x3c: {  	[tilespmem:$0x100] =	vst v17  }
0x3d: {  	v18 =	vld.idx.msk [tilespmem:v2+s14+$0x0], $0xffff;
	_ =	sdelay $0x4  }
0x3e: {  	vm0 =	vlt.s32 v17, v18  }
0x3f: {  	v17 =	vsel vm0, v17, v18  }
0x40: {  	[tilespmem:$0x100] =	vst v17  }
0x41: {  	v18 =	vld.idx.msk [tilespmem:v3+s14+$0x0], $0xffff;
	[tilespmem:s15], [sflag:$0x1] =	stream.linear.gather [hbm4b:s4+s1], $0x3800, $0x38  }
0x42: {  	_ = 	snop  }
0x43: {  	[tilespmem:s16], [sflag:$0x3] =	stream.linear.gather [hbm4b:s5+s1], $0x3800, $0x38;
	[tilespmem:$0x11280] =	vst v63  }
0x44: {  	_ = 	snop  }
0x45: {  	[tilespmem:s17], [sflag:$0x2] =	stream.linear.gather [hbm4b:s6+s1], $0x3800, $0x38;
	[tilespmem:$0x11280] =	vst v63  }
0x46: {  	_ = 	snop  }
0x47: {  	vm0 =	vlt.s32 v17, v18;
	[tilespmem:s18], [sflag:$0x4] =	stream.linear.gather [hbm4b:s7+s1], $0x3800, $0x38;
	[tilespmem:$0x11280] =	vst v63  }
0x48: {  	v23 =	vsel vm0, v17, v18;
	_ =	swait.ge [sflag:s19], $0x3800  }
0x49: {  	v17 =	vadd.s32 v7, v23;
	[sflag:s19] =	ssyncset.done $0x0  }
0x4a: {  	[sflag:s19] =	ssyncadd.s32 $0xFFFFC800  }
0x4b: {  	_ =	swait.ge [sflag:s20], $0x3800  }
0x4c: {  	[sflag:s20] =	ssyncset.done $0x0  }
0x4d: {  	[sflag:s20] =	ssyncadd.s32 $0xFFFFC800  }
0x4e: {  	v19 =	vld.idx.msk [tilespmem:v17+s15+$0x0], $0xffff  }
0x4f: {  	v20 =	vld.idx.msk [tilespmem:v17+s16+$0x0], $0xffff;
	_ =	sdelay $0x2  }
0x50: {  	v18 =	vadd.s32 v11, v23;
	_ =	sdelay $0x1  }
0x51: {  	v19 =	vadd.f32 v20, v19  }
0x52: {  	s25 =	simm.s32 $0xE1F0  }
0x53: {  	[tilespmem:s25+$0xFFFFFF90] =	vst v19  }
0x54: {  	v20 =	vld.idx.msk [tilespmem:v18+s15+$0x0], $0xffff  }
0x55: {  	v21 =	vld.idx.msk [tilespmem:v18+s16+$0x0], $0xffff;
	_ =	sdelay $0x2  }
0x56: {  	v19 =	vadd.s32 v12, v23;
	_ =	sdelay $0x1  }
0x57: {  	v20 =	vadd.f32 v21, v20;
	_ =	sdelay $0x1  }
0x58: {  	[tilespmem:s25+$0xFFFFFFA0] =	vst v20  }
0x59: {  	v21 =	vld.idx.msk [tilespmem:v19+s15+$0x0], $0xffff  }
0x5a: {  	v22 =	vld.idx.msk [tilespmem:v19+s16+$0x0], $0xffff;
	_ =	sdelay $0x2  }
0x5b: {  	v20 =	vadd.s32 v13, v23;
	_ =	sdelay $0x1  }
0x5c: {  	v21 =	vadd.f32 v22, v21;
	_ =	sdelay $0x1  }
0x5d: {  	[tilespmem:s25+$0xFFFFFFB0] =	vst v21  }
0x5e: {  	v22 =	vld.idx.msk [tilespmem:v20+s15+$0x0], $0xffff  }
0x5f: {  	v24 =	vld.idx.msk [tilespmem:v20+s16+$0x0], $0xffff;
	_ =	sdelay $0x2  }
0x60: {  	v21 =	vadd.s32 v14, v23;
	_ =	sdelay $0x1  }
0x61: {  	v22 =	vadd.f32 v24, v22;
	_ =	sdelay $0x1  }
0x62: {  	[tilespmem:s25+$0xFFFFFFC0] =	vst v22  }
0x63: {  	v24 =	vld.idx.msk [tilespmem:v21+s15+$0x0], $0xffff  }
0x64: {  	v25 =	vld.idx.msk [tilespmem:v21+s16+$0x0], $0xffff;
	_ =	sdelay $0x2  }
0x65: {  	v22 =	vadd.s32 v15, v23;
	_ =	sdelay $0x1  }
0x66: {  	v24 =	vadd.f32 v25, v24;
	_ =	sdelay $0x1  }
0x67: {  	[tilespmem:s25+$0xFFFFFFD0] =	vst v24  }
0x68: {  	v24 =	vld.idx.msk [tilespmem:v22+s15+$0x0], $0xffff  }
0x69: {  	v25 =	vld.idx.msk [tilespmem:v22+s16+$0x0], $0xffff;
	_ =	sdelay $0x2  }
0x6a: {  	v23 =	vadd.s32 v16, v23;
	_ =	sdelay $0x1  }
0x6b: {  	v24 =	vadd.f32 v25, v24;
	_ =	sdelay $0x1  }
0x6c: {  	[tilespmem:s25+$0xFFFFFFE0] =	vst v24  }
0x6d: {  	v24 =	vld.idx.msk [tilespmem:v23+s15+$0x0], $0xffff  }
0x6e: {  	v25 =	vld.idx.msk [tilespmem:v23+s16+$0x0], $0xffff;
	_ =	sdelay $0x4  }
0x6f: {  	v24 =	vadd.f32 v25, v24  }
0x70: {  	s2 =	sadd.s32 $0x0, s10  }
0x71: {  	s28 =	sadd.s32 $0x0, s11;
	s26 =	sadd.s32 $0xE00, s2;
	[tilespmem:s25+$0xFFFFFFF0] =	vst v24  }
0x72: {  	[tilespmem:s15], [sflag:$0x1] =	stream.linear.gather [hbm4b:s26+s1], $0x3800, $0x38;
	[tilespmem:$0x11280] =	vst v63  }
0x73: {  	s0 =	sadd.s32 $0xE00, s28  }
0x74: {  	[tilespmem:s16], [sflag:$0x3] =	stream.linear.gather [hbm4b:s0+s1], $0x3800, $0x38;
	[tilespmem:$0x11280] =	vst v63  }
0x75: {  	_ =	swait.ge [sflag:s21], $0x3800  }
0x76: {  	[sflag:s21] =	ssyncset.done $0x0  }
0x77: {  	[sflag:s21] =	ssyncadd.s32 $0xFFFFC800  }
0x78: {  	_ =	swait.ge [sflag:s22], $0x3800  }
0x79: {  	[sflag:s22] =	ssyncset.done $0x0  }
0x7a: {  	[sflag:s22] =	ssyncadd.s32 $0xFFFFC800  }
0x7b: {  	v24 =	vld.idx.msk [tilespmem:v17+s17+$0x0], $0xffff  }
0x7c: {  	v25 =	vld.idx.msk [tilespmem:v17+s18+$0x0], $0xffff;
	_ =	sdelay $0x4  }
0x7d: {  	v24 =	vadd.f32 v25, v24;
	_ =	sdelay $0x1  }
0x7e: {  	[tilespmem:s25+$0x0] =	vst v24  }
0x7f: {  	v24 =	vld.idx.msk [tilespmem:v18+s17+$0x0], $0xffff  }
0x80: {  	v25 =	vld.idx.msk [tilespmem:v18+s18+$0x0], $0xffff;
	_ =	sdelay $0x4  }
0x81: {  	v24 =	vadd.f32 v25, v24  }
0x82: {  	s30 =	sand.u32 $0x3FE0, s1  }
0x83: {  	[tilespmem:s30+$0xE200] =	vst v24  }
0x84: {  	v24 =	vld.idx.msk [tilespmem:v19+s17+$0x0], $0xffff  }
0x85: {  	v25 =	vld.idx.msk [tilespmem:v19+s18+$0x0], $0xffff;
	_ =	sdelay $0x4  }
0x86: {  	v24 =	vadd.f32 v25, v24;
	_ =	sdelay $0x1  }
0x87: {  	[tilespmem:s25+$0x20] =	vst v24  }
0x88: {  	v24 =	vld.idx.msk [tilespmem:v20+s17+$0x0], $0xffff  }
0x89: {  	v25 =	vld.idx.msk [tilespmem:v20+s18+$0x0], $0xffff;
	_ =	sdelay $0x4  }
0x8a: {  	v24 =	vadd.f32 v25, v24;
	_ =	sdelay $0x1  }
0x8b: {  	[tilespmem:s25+$0x30] =	vst v24  }
0x8c: {  	v24 =	vld.idx.msk [tilespmem:v21+s17+$0x0], $0xffff  }
0x8d: {  	v25 =	vld.idx.msk [tilespmem:v21+s18+$0x0], $0xffff;
	_ =	sdelay $0x4  }
0x8e: {  	v24 =	vadd.f32 v25, v24;
	_ =	sdelay $0x1  }
0x8f: {  	[tilespmem:s25+$0x40] =	vst v24  }
0x90: {  	v24 =	vld.idx.msk [tilespmem:v22+s17+$0x0], $0xffff  }
0x91: {  	v25 =	vld.idx.msk [tilespmem:v22+s18+$0x0], $0xffff;
	_ =	sdelay $0x3  }
0x92: {  	s29 =	simm.s32 $0x0;
	s31 =	sadd.s32 $0x1500, s2  }
0x93: {  	s2 =	sadd.s32 $0x1500, s28;
	s28 =	simm.s32 $0xE1F0;
	s26 =	simm.s32 $0xE00;
	v24 =	vadd.f32 v25, v24  }
.LBB2_2:
0x94: {  	p0 =	sne.s32 s26, $0x2F400;
	s29 =	sadd.s32 $0xE0, s29;
	s25 =	sadd.s32 $0xE0, s25  }
0x95: {  	s30 =	smov.u32 s26;
	s26 =	sadd.s32 $0xE00, s26;
	[tilespmem:s28+$0x50] =	vst v24  }
0x96: {  	v24 =	vld.idx.msk [tilespmem:v23+s17+$0x0], $0xffff  }
0x97: {  	v25 =	vld.idx.msk [tilespmem:v23+s18+$0x0], $0xffff;
	_ =	sdelay $0x5  }
0x98: {  	v24 =	vadd.f32 v25, v24;
	_ =	sdelay $0x1  }
0x99: {  	[tilespmem:s28+$0x60] =	vst v24;
	s28 =	smov.u32 s25  }
0x9a: {  	[tilespmem:s17], [sflag:$0x2] =	stream.linear.gather [hbm4b:s31+s1], $0x3800, $0x38;
	[tilespmem:$0x11280] =	vst v63  }
0x9b: {  	_ = 	snop  }
0x9c: {  	[tilespmem:s18], [sflag:$0x4] =	stream.linear.gather [hbm4b:s2+s1], $0x3800, $0x38;
	[tilespmem:$0x11280] =	vst v63  }
0x9d: {  	_ =	swait.ge [sflag:s19], $0x3800  }
0x9e: {  	[sflag:s19] =	ssyncset.done $0x0  }
0x9f: {  	[sflag:s19] =	ssyncadd.s32 $0xFFFFC800  }
0xa0: {  	_ =	swait.ge [sflag:s20], $0x3800  }
0xa1: {  	[sflag:s20] =	ssyncset.done $0x0  }
0xa2: {  	[sflag:s20] =	ssyncadd.s32 $0xFFFFC800  }
0xa3: {  	v24 =	vld.idx.msk [tilespmem:v17+s15+$0x0], $0xffff  }
0xa4: {  	v25 =	vld.idx.msk [tilespmem:v17+s16+$0x0], $0xffff;
	_ =	sdelay $0x5  }
0xa5: {  	v24 =	vadd.f32 v25, v24;
	_ =	sdelay $0x1  }
0xa6: {  	[tilespmem:s25+$0xFFFFFF90] =	vst v24  }
0xa7: {  	v24 =	vld.idx.msk [tilespmem:v18+s15+$0x0], $0xffff  }
0xa8: {  	v25 =	vld.idx.msk [tilespmem:v18+s16+$0x0], $0xffff;
	_ =	sdelay $0x5  }
0xa9: {  	v24 =	vadd.f32 v25, v24;
	_ =	sdelay $0x1  }
0xaa: {  	[tilespmem:s25+$0xFFFFFFA0] =	vst v24  }
0xab: {  	v24 =	vld.idx.msk [tilespmem:v19+s15+$0x0], $0xffff  }
0xac: {  	v25 =	vld.idx.msk [tilespmem:v19+s16+$0x0], $0xffff;
	_ =	sdelay $0x5  }
0xad: {  	v24 =	vadd.f32 v25, v24;
	_ =	sdelay $0x1  }
0xae: {  	[tilespmem:s25+$0xFFFFFFB0] =	vst v24  }
0xaf: {  	v24 =	vld.idx.msk [tilespmem:v20+s15+$0x0], $0xffff  }
0xb0: {  	v25 =	vld.idx.msk [tilespmem:v20+s16+$0x0], $0xffff;
	_ =	sdelay $0x5  }
0xb1: {  	v24 =	vadd.f32 v25, v24;
	_ =	sdelay $0x1  }
0xb2: {  	[tilespmem:s25+$0xFFFFFFC0] =	vst v24  }
0xb3: {  	v24 =	vld.idx.msk [tilespmem:v21+s15+$0x0], $0xffff  }
0xb4: {  	v25 =	vld.idx.msk [tilespmem:v21+s16+$0x0], $0xffff;
	_ =	sdelay $0x5  }
0xb5: {  	v24 =	vadd.f32 v25, v24;
	_ =	sdelay $0x1  }
0xb6: {  	[tilespmem:s25+$0xFFFFFFD0] =	vst v24  }
0xb7: {  	v24 =	vld.idx.msk [tilespmem:v22+s15+$0x0], $0xffff  }
0xb8: {  	v25 =	vld.idx.msk [tilespmem:v22+s16+$0x0], $0xffff;
	_ =	sdelay $0x5  }
0xb9: {  	v24 =	vadd.f32 v25, v24;
	_ =	sdelay $0x1  }
0xba: {  	[tilespmem:s25+$0xFFFFFFE0] =	vst v24  }
0xbb: {  	v24 =	vld.idx.msk [tilespmem:v23+s15+$0x0], $0xffff  }
0xbc: {  	s31 =	sadd.s32 s30, s10;
	v25 =	vld.idx.msk [tilespmem:v23+s16+$0x0], $0xffff  }
0xbd: {  	s2 =	sadd.s32 $0xE00, s31  }
0xbe: {  	s30 =	sadd.s32 s30, s11  }
0xbf: {  	s0 =	sadd.s32 $0xE00, s30;
	_ =	sdelay $0x2  }
0xc0: {  	v24 =	vadd.f32 v25, v24;
	_ =	sdelay $0x1  }
0xc1: {  	[tilespmem:s25+$0xFFFFFFF0] =	vst v24  }
0xc2: {  	[tilespmem:s15], [sflag:$0x1] =	stream.linear.gather [hbm4b:s2+s1], $0x3800, $0x38;
	[tilespmem:$0x11280] =	vst v63  }
0xc3: {  	_ = 	snop  }
0xc4: {  	[tilespmem:s16], [sflag:$0x3] =	stream.linear.gather [hbm4b:s0+s1], $0x3800, $0x38;
	[tilespmem:$0x11280] =	vst v63  }
0xc5: {  	_ =	swait.ge [sflag:s21], $0x3800  }
0xc6: {  	[sflag:s21] =	ssyncset.done $0x0  }
0xc7: {  	[sflag:s21] =	ssyncadd.s32 $0xFFFFC800  }
0xc8: {  	_ =	swait.ge [sflag:s22], $0x3800  }
0xc9: {  	[sflag:s22] =	ssyncset.done $0x0  }
0xca: {  	[sflag:s22] =	ssyncadd.s32 $0xFFFFC800  }
0xcb: {  	v24 =	vld.idx.msk [tilespmem:v17+s17+$0x0], $0xffff  }
0xcc: {  	v25 =	vld.idx.msk [tilespmem:v17+s18+$0x0], $0xffff;
	_ =	sdelay $0x5  }
0xcd: {  	v24 =	vadd.f32 v25, v24;
	_ =	sdelay $0x1  }
0xce: {  	s0 =	sand.u32 $0x3FE0, s29;
	[tilespmem:s25+$0x0] =	vst v24  }
0xcf: {  	v24 =	vld.idx.msk [tilespmem:v18+s17+$0x0], $0xffff  }
0xd0: {  	v25 =	vld.idx.msk [tilespmem:v18+s18+$0x0], $0xffff;
	_ =	sdelay $0x5  }
0xd1: {  	v24 =	vadd.f32 v25, v24;
	_ =	sdelay $0x1  }
0xd2: {  	[tilespmem:s0+$0xE200] =	vst v24  }
0xd3: {  	v24 =	vld.idx.msk [tilespmem:v19+s17+$0x0], $0xffff  }
0xd4: {  	v25 =	vld.idx.msk [tilespmem:v19+s18+$0x0], $0xffff;
	_ =	sdelay $0x5  }
0xd5: {  	v24 =	vadd.f32 v25, v24;
	_ =	sdelay $0x1  }
0xd6: {  	[tilespmem:s25+$0x20] =	vst v24  }
0xd7: {  	v24 =	vld.idx.msk [tilespmem:v20+s17+$0x0], $0xffff  }
0xd8: {  	v25 =	vld.idx.msk [tilespmem:v20+s18+$0x0], $0xffff;
	_ =	sdelay $0x5  }
0xd9: {  	v24 =	vadd.f32 v25, v24;
	_ =	sdelay $0x1  }
0xda: {  	[tilespmem:s25+$0x30] =	vst v24  }
0xdb: {  	v24 =	vld.idx.msk [tilespmem:v21+s17+$0x0], $0xffff  }
0xdc: {  	v25 =	vld.idx.msk [tilespmem:v21+s18+$0x0], $0xffff;
	_ =	sdelay $0x5  }
0xdd: {  	v24 =	vadd.f32 v25, v24;
	_ =	sdelay $0x1  }
0xde: {  	[tilespmem:s25+$0x40] =	vst v24  }
0xdf: {  	v24 =	vld.idx.msk [tilespmem:v22+s17+$0x0], $0xffff  }
0xe0: {  	v25 =	vld.idx.msk [tilespmem:v22+s18+$0x0], $0xffff;
	_ =	sdelay $0x1  }
.Ltmp0:
0xe1: {  	(pc) =	sbr.rel @p0 .LBB2_2-.Ltmp0, $3  }
0xe2: {  	_ = 	snop  }
0xe3: {  	s31 =	sadd.s32 $0x1500, s31;
	_ =	sdelay $0x1  }
0xe4: {  	s2 =	sadd.s32 $0x1500, s30;
	v24 =	vadd.f32 v25, v24  }
0xe5: {  	_ =	sdelay $0x2  }
0xe6: {  	[tilespmem:s28+$0x50] =	vst v24  }
0xe7: {  	v24 =	vld.idx.msk [tilespmem:v23+s17+$0x0], $0xffff  }
0xe8: {  	v25 =	vld.idx.msk [tilespmem:v23+s18+$0x0], $0xffff;
	_ =	sdelay $0x4  }
0xe9: {  	v24 =	vadd.f32 v25, v24;
	_ =	sdelay $0x1  }
0xea: {  	[tilespmem:s28+$0x60] =	vst v24  }
0xeb: {  	[tilespmem:s17], [sflag:$0x2] =	stream.linear.gather [hbm4b:s31+s1], $0x3800, $0x38;
	[tilespmem:$0x11280] =	vst v63  }
0xec: {  	_ = 	snop  }
0xed: {  	[tilespmem:s18], [sflag:$0x4] =	stream.linear.gather [hbm4b:s2+s1], $0x3800, $0x38;
	[tilespmem:$0x11280] =	vst v63  }
0xee: {  	_ =	swait.ge [sflag:s19], $0x3800  }
0xef: {  	[sflag:s19] =	ssyncset.done $0x0  }
0xf0: {  	[sflag:s19] =	ssyncadd.s32 $0xFFFFC800  }
0xf1: {  	_ =	swait.ge [sflag:s20], $0x3800  }
0xf2: {  	[sflag:s20] =	ssyncset.done $0x0  }
0xf3: {  	[sflag:s20] =	ssyncadd.s32 $0xFFFFC800  }
0xf4: {  	v55 =	vld.idx.msk [tilespmem:v17+s15+$0x0], $0xffff  }
0xf5: {  	v56 =	vld.idx.msk [tilespmem:v17+s16+$0x0], $0xffff;
	_ =	sdelay $0x4  }
0xf6: {  	v24 =	vadd.f32 v56, v55;
	_ =	sdelay $0x1  }
0xf7: {  	[tilespmem:$0x111A0] =	vst v24  }
0xf8: {  	v24 =	vld.idx.msk [tilespmem:v18+s15+$0x0], $0xffff  }
0xf9: {  	v57 =	vld.idx.msk [tilespmem:v18+s16+$0x0], $0xffff;
	_ =	sdelay $0x4  }
0xfa: {  	v24 =	vadd.f32 v57, v24;
	_ =	sdelay $0x1  }
0xfb: {  	[tilespmem:$0x111B0] =	vst v24  }
0xfc: {  	v24 =	vld.idx.msk [tilespmem:v19+s15+$0x0], $0xffff  }
0xfd: {  	v58 =	vld.idx.msk [tilespmem:v19+s16+$0x0], $0xffff;
	_ =	sdelay $0x4  }
0xfe: {  	v24 =	vadd.f32 v58, v24;
	_ =	sdelay $0x1  }
0xff: {  	[tilespmem:$0x111C0] =	vst v24  }
0x100: {  	v24 =	vld.idx.msk [tilespmem:v20+s15+$0x0], $0xffff  }
0x101: {  	v59 =	vld.idx.msk [tilespmem:v20+s16+$0x0], $0xffff;
	_ =	sdelay $0x4  }
0x102: {  	v24 =	vadd.f32 v59, v24;
	_ =	sdelay $0x1  }
0x103: {  	[tilespmem:$0x111D0] =	vst v24  }
0x104: {  	v24 =	vld.idx.msk [tilespmem:v21+s15+$0x0], $0xffff  }
0x105: {  	v60 =	vld.idx.msk [tilespmem:v21+s16+$0x0], $0xffff;
	_ =	sdelay $0x4  }
0x106: {  	v24 =	vadd.f32 v60, v24;
	_ =	sdelay $0x1  }
0x107: {  	[tilespmem:$0x111E0] =	vst v24  }
0x108: {  	v24 =	vld.idx.msk [tilespmem:v22+s15+$0x0], $0xffff  }
0x109: {  	v61 =	vld.idx.msk [tilespmem:v22+s16+$0x0], $0xffff;
	_ =	sdelay $0x4  }
0x10a: {  	v24 =	vadd.f32 v61, v24;
	_ =	sdelay $0x1  }
0x10b: {  	[tilespmem:$0x111F0] =	vst v24  }
0x10c: {  	v24 =	vld.idx.msk [tilespmem:v23+s15+$0x0], $0xffff  }
0x10d: {  	v62 =	vld.idx.msk [tilespmem:v23+s16+$0x0], $0xffff;
	_ =	sdelay $0x4  }
0x10e: {  	v24 =	vadd.f32 v62, v24;
	_ =	sdelay $0x1  }
0x10f: {  	[tilespmem:$0x11200] =	vst v24  }
0x110: {  	_ =	swait.ge [sflag:s21], $0x3800  }
0x111: {  	[sflag:s21] =	ssyncset.done $0x0  }
0x112: {  	[sflag:s21] =	ssyncadd.s32 $0xFFFFC800  }
0x113: {  	_ =	swait.ge [sflag:s22], $0x3800  }
0x114: {  	[sflag:s22] =	ssyncset.done $0x0  }
0x115: {  	[sflag:s22] =	ssyncadd.s32 $0xFFFFC800  }
0x116: {  	v63 =	vld.idx.msk [tilespmem:v17+s17+$0x0], $0xffff  }
0x117: {  	v17 =	vld.idx.msk [tilespmem:v17+s18+$0x0], $0xffff;
	_ =	sdelay $0x4  }
0x118: {  	v17 =	vadd.f32 v17, v63;
	_ =	sdelay $0x1  }
0x119: {  	[tilespmem:$0x11210] =	vst v17  }
0x11a: {  	v17 =	vld.idx.msk [tilespmem:v18+s17+$0x0], $0xffff  }
0x11b: {  	v18 =	vld.idx.msk [tilespmem:v18+s18+$0x0], $0xffff;
	_ =	sdelay $0x4  }
0x11c: {  	v17 =	vadd.f32 v18, v17;
	_ =	sdelay $0x1  }
0x11d: {  	[tilespmem:$0x11220] =	vst v17  }
0x11e: {  	v17 =	vld.idx.msk [tilespmem:v19+s17+$0x0], $0xffff  }
0x11f: {  	v18 =	vld.idx.msk [tilespmem:v19+s18+$0x0], $0xffff;
	_ =	sdelay $0x4  }
0x120: {  	v17 =	vadd.f32 v18, v17;
	_ =	sdelay $0x1  }
0x121: {  	[tilespmem:$0x11230] =	vst v17  }
0x122: {  	v17 =	vld.idx.msk [tilespmem:v20+s17+$0x0], $0xffff  }
0x123: {  	v18 =	vld.idx.msk [tilespmem:v20+s18+$0x0], $0xffff;
	_ =	sdelay $0x4  }
0x124: {  	v17 =	vadd.f32 v18, v17;
	_ =	sdelay $0x1  }
0x125: {  	[tilespmem:$0x11240] =	vst v17  }
0x126: {  	v17 =	vld.idx.msk [tilespmem:v21+s17+$0x0], $0xffff  }
0x127: {  	v18 =	vld.idx.msk [tilespmem:v21+s18+$0x0], $0xffff;
	_ =	sdelay $0x4  }
0x128: {  	v17 =	vadd.f32 v18, v17;
	_ =	sdelay $0x1  }
0x129: {  	[tilespmem:$0x11250] =	vst v17  }
0x12a: {  	v17 =	vld.idx.msk [tilespmem:v22+s17+$0x0], $0xffff  }
0x12b: {  	v18 =	vld.idx.msk [tilespmem:v22+s18+$0x0], $0xffff;
	_ =	sdelay $0x4  }
0x12c: {  	v17 =	vadd.f32 v18, v17;
	_ =	sdelay $0x1  }
0x12d: {  	[tilespmem:$0x11260] =	vst v17  }
0x12e: {  	v17 =	vld.idx.msk [tilespmem:v23+s17+$0x0], $0xffff  }
0x12f: {  	v18 =	vld.idx.msk [tilespmem:v23+s18+$0x0], $0xffff;
	_ =	sdelay $0x4  }
0x130: {  	s24 =	sadd.s32 $0x1, s24;
	v17 =	vadd.f32 v18, v17  }
0x131: {  	p0 =	sne.s32 s24, s9  }
.Ltmp1:
0x132: {  	[tilespmem:$0x11270] =	vst v17;
	(pc) =	sbr.rel @p0 .LBB2_1-.Ltmp1, $4  }
0x133: {  	[hbm4b:s8+s1] =	stream.linear.scatter [tilespmem:s23], [sflag:$0x5], $0x3100, $0x38;
	[tilespmem:$0x11280] =	vst v63  }
0x134: {  	_ =	swait.ge [sflag:s12], $0x3100  }
0x135: {  	[sflag:s12] =	ssyncset.done $0x0  }
0x136: {  	[sflag:s12] =	ssyncadd.s32 $0xFFFFCF00  }
0x137: {  	_ =	sfence.sel $0x180000  }
0x138: {  	[bflag:$0x0] =	sbarrier.arrive $0xFFFF  }
0x139: {  	_ =	strace $0x90000047  }
0x13a: {  	s0 =	stileid.u32;
	[bflag:$0x2] =	sbarrier.arrive $0xFFFF  }
0x13b: {  	p0 =	sne.s32 s0, $0x0;
	s0 =	rddreg [dreg:$0x2]  }
0x13c: {  	s0 =	sadd.s32 @!p0 $0x100000, s0  }
0x13d: {  	[sflag:s0] =	ssyncadd.tile.s32 @!p0 $0x1;
	_ =	shalt  }
.Lfunc_end2:
_tile_overlayer_lowered:
.L_overlay_start_2:
0x13e: {  	(tag) =	ssettag $0x2  }
0x13f: {  	s0 =	rddreg [dreg:$0x0];
	s2 =	stileid.u32  }
0x140: {  	s1 =	rddreg [dreg:$0x1];
	p0 =	sne.s32 s2, $0x0  }
0x141: {  	s3 =	rddreg [dreg:$0x2];
	[bflag:$0x3] =	sbarrier.arrive $0xFFFF;
	s2 =	simm.s32 @!p0 $0x1C05  }
0x142: {  	[timem:s3], [sflag:s2] =	dma.local @!p0 [hbm:s0], s1  }
0x143: {  	s0 =	simm.s32 @!p0 $0x5  }
0x144: {  	_ =	swait.ge @!p0 [sflag:s0], s1  }
0x145: {  	s1 =	ssub.s32 @!p0 $0x0, s1;
	[sflag:s0] =	ssyncset.done @!p0 $0x0  }
0x146: {  	[sflag:s0] =	ssyncadd.s32 @!p0 s1  }
0x147: {  	[bflag:$0x3] =	sbarrier.arrive $0xFFFF  }
0x148: {  	_ =	shalt  }

</sc_bundles>
